<compile_context>
chip_gen: v7x
topology: tpu7x:2x2x1
jax: 0.10.2.dev20260603
libtpu: 0.0.44.dev20260713+nightly
codegen_flags: <defaults>
</compile_context>

<pallas_src>
import functools

import jax
import jax.numpy as jnp
from jax import lax
from jax.experimental import pallas as pl
from jax.experimental.pallas import tpu as pltpu
from jax.experimental.pallas import tpu_sc as plsc

NUM_SEGMENTS = 64
NUM_ROWS = 10000
NUM_COLS = 128
TC_ROWS = 5120
SC_BASE = TC_ROWS
CHUNK = 80
NUM_CHUNKS = (NUM_ROWS - SC_BASE) // CHUNK
NUM_WORKERS = 32
MAX_CHUNKS_PER_WORKER = -(-NUM_CHUNKS // NUM_WORKERS)


def _sc_partials(x, batch):
    mesh = plsc.VectorSubcoreMesh(core_axis_name="c", subcore_axis_name="s")

    @functools.partial(
        pl.kernel,
        out_type=jax.ShapeDtypeStruct((2, NUM_SEGMENTS, NUM_COLS), jnp.float32),
        mesh=mesh,
        scratch_types=[
            pltpu.VMEM((MAX_CHUNKS_PER_WORKER, CHUNK), jnp.int32),
            pltpu.VMEM((MAX_CHUNKS_PER_WORKER, CHUNK, NUM_COLS), jnp.float32),
            pltpu.VMEM((NUM_SEGMENTS // 16, NUM_COLS), jnp.float32),
            pltpu.VMEM_SHARED((NUM_SEGMENTS, NUM_COLS), jnp.float32),
            [pltpu.SemaphoreType.DMA] * MAX_CHUNKS_PER_WORKER,
            pltpu.SemaphoreType.DMA,
        ],
    )
    def k(x_hbm, batch_hbm, part_hbm, idx_v, rows_v, zero_v, acc_sh, sems, sem_s):
        cid = lax.axis_index("c")
        sid = lax.axis_index("s")
        wid = sid * 2 + cid

        def start(k_, c):
            base = SC_BASE + c * CHUNK
            pltpu.async_copy(batch_hbm.at[pl.ds(base, CHUNK)], idx_v.at[k_], sems[k_])
            pltpu.async_copy(x_hbm.at[pl.ds(base, CHUNK)], rows_v.at[k_], sems[k_])

        def wait(k_, c):
            base = SC_BASE + c * CHUNK
            pltpu.make_async_copy(
                batch_hbm.at[pl.ds(base, CHUNK)], idx_v.at[k_], sems[k_]).wait()
            pltpu.make_async_copy(
                x_hbm.at[pl.ds(base, CHUNK)], rows_v.at[k_], sems[k_]).wait()

        for k_ in range(MAX_CHUNKS_PER_WORKER):
            c = wid + NUM_WORKERS * k_

            @pl.when(c < NUM_CHUNKS)
            def _():
                start(k_, c)

        zrows = NUM_SEGMENTS // 16
        for r in range(zrows):
            for cb in range(NUM_COLS // 16):
                zero_v[r, pl.ds(cb * 16, 16)] = jnp.zeros((16,), jnp.float32)
        pltpu.sync_copy(zero_v, acc_sh.at[pl.ds(sid * zrows, zrows)])
        plsc.subcore_barrier()

        for k_ in range(MAX_CHUNKS_PER_WORKER):
            c = wid + NUM_WORKERS * k_

            @pl.when(c < NUM_CHUNKS)
            def _():
                wait(k_, c)
                pltpu.async_copy(rows_v.at[k_], acc_sh.at[idx_v.at[k_]], sem_s,
                                 add=True)

        for k_ in range(MAX_CHUNKS_PER_WORKER):
            c = wid + NUM_WORKERS * k_

            @pl.when(c < NUM_CHUNKS)
            def _():
                pltpu.make_async_copy(
                    rows_v.at[k_], acc_sh.at[idx_v.at[k_]], sem_s).wait()

        plsc.subcore_barrier()

        pltpu.sync_copy(acc_sh.at[pl.ds(sid * zrows, zrows)],
                        part_hbm.at[cid, pl.ds(sid * zrows, zrows)])

    return k(x, batch)


def _tc_head_body(x_ref, b_ref, o_ref):
    seg = lax.broadcasted_iota(jnp.int32, (NUM_SEGMENTS, TC_ROWS), 0)
    onehot_t = (b_ref[...][None, :] == seg).astype(jnp.float32)
    o_ref[...] = lax.dot_general(
        onehot_t, x_ref[...], (((1,), (0,)), ((), ())),
        precision=lax.Precision.DEFAULT,
        preferred_element_type=jnp.float32)


def _tc_head(x, batch_row):
    return pl.pallas_call(
        _tc_head_body,
        grid=(1,),
        in_specs=[
            pl.BlockSpec((TC_ROWS, NUM_COLS), lambda i: (0, 0)),
            pl.BlockSpec((TC_ROWS,), lambda i: (0,)),
        ],
        out_specs=pl.BlockSpec((NUM_SEGMENTS, NUM_COLS), lambda i: (0, 0)),
        out_shape=jax.ShapeDtypeStruct((NUM_SEGMENTS, NUM_COLS), jnp.float32),
    )(x, batch_row)


def kernel(x, edge_index, batch, train_mask):
    del edge_index, train_mask
    tc_part = _tc_head(x, batch)
    partials = _sc_partials(x, batch)
    m = partials[0] + partials[1] + tc_part
    return (m, m)

# --- scband reference (transcript-rebuilt; emitter-appended) ---
"""Pipeline reference for scband-encoder-mask-67482526155092 (READ-ONLY COPY).

The authoritative reference and input builder live on the scoring server;
editing this copy changes nothing except your own understanding.
"""

import jax, jax.numpy as jnp
import numpy as np

NUM_GRAPHS = 64


def setup_inputs(seed: int = 0) -> dict:
    key = jax.random.key(seed)
    k1, k2, k3 = jax.random.split(key, 3)
    x = jax.random.normal(k1, (10000, 128), dtype=jnp.float32)
    edge_index = jax.random.randint(k2, (2, 320000), 0, 10000, dtype=jnp.int32)
    batch = jnp.sort(jax.random.randint(k3, (10000,), 0, NUM_GRAPHS, dtype=jnp.int32))
    # learned parameter (unused in forward math, kept for fidelity)
    train_mask = jnp.ones((1,), dtype=jnp.float32)
    return {"x": x, "edge_index": edge_index, "batch": batch, "train_mask": train_mask}


def _identity_aug(x, edge_index):
    # Augmentor supplied to Encoder_mask; identity augmentation returning
    # (x, edge_index, edge_weight=None), matching the GCL augmentor protocol.
    return x, edge_index, None


def reference(x, edge_index, batch, train_mask):
    aug1, aug2 = _identity_aug, _identity_aug
    x1, edge_index1, edge_weight1 = aug1(x, edge_index)
    x2, edge_index2, edge_weight2 = aug2(x, edge_index)
    # global_add_pool == segment-sum of node features by graph id
    m1 = jax.ops.segment_sum(x1, batch, num_segments=NUM_GRAPHS)
    m2 = jax.ops.segment_sum(x2, batch, num_segments=NUM_GRAPHS)
    return (m1, m2)

if __name__ == "__main__":
    import jax
    _d = setup_inputs()
    print(jax.jit(kernel)(*tuple(_d.values())))

</pallas_src>

<mosaic_0001>
#map = affine_map<(d0, d1) -> (0, 0)>
#map1 = affine_map<(d0, d1) -> (0)>
#map2 = affine_map<(d0, d1) -> (0, 0, 0)>
module attributes {stable_mosaic.version = 14 : i64} {
  func.func @k(%arg0: i32, %arg1: i32, %arg2: memref<10000x128xf32, #tpu.memory_space<hbm>>, %arg3: memref<10000xi32, #tpu.memory_space<hbm>>, %arg4: memref<2x64x128xf32, #tpu.memory_space<hbm>>, %arg5: memref<2x80xi32, #tpu.memory_space<vmem>>, %arg6: memref<2x80x128xf32, #tpu.memory_space<vmem>>, %arg7: memref<4x128xf32, #tpu.memory_space<vmem>>, %arg8: memref<64x128xf32, #tpu.memory_space<vmem_shared>>, %arg9: memref<!tpu.dma_semaphore, #tpu.memory_space<semaphore_mem>>, %arg10: memref<!tpu.dma_semaphore, #tpu.memory_space<semaphore_mem>>, %arg11: memref<!tpu.dma_semaphore, #tpu.memory_space<semaphore_mem>>) attributes {dimension_semantics = [#tpu.dimension_semantics<core_parallel>, #tpu.dimension_semantics<subcore_parallel>], iteration_bounds = array<i64: 2, 16>, scalar_prefetch = 0 : i64, scratch_operands = 7 : i64, tpu.core_type = #tpu.core_type<sc_vector_subcore>, window_params = [{transform_indices = #map}, {transform_indices = #map1}, {transform_indices = #map2}]} {
    %mul3A = arith.constant 2 : i32
    %mul3A_0 = arith.muli %arg1, %mul3A : i32
    %add3A = arith.addi %mul3A_0, %arg0 : i32
    %add3A_1 = arith.constant 0 : i32
    %add3A_2 = arith.addi %add3A, %add3A_1 : i32
    %lt3A = arith.constant 61 : i32
    %lt3A_3 = arith.cmpi slt, %add3A_2, %lt3A : i32
    %convert_element_type3A = arith.extui %lt3A_3 : i1 to i32
    %cond3A = arith.constant 0 : i32
    %cond3A_4 = arith.cmpi ne, %convert_element_type3A, %cond3A : i32
    scf.if %cond3A_4 {
      %mul3A_301 = arith.constant 80 : i32
      %mul3A_302 = arith.muli %add3A_2, %mul3A_301 : i32
      %add3A_303 = arith.constant 5120 : i32
      %add3A_304 = arith.addi %add3A_303, %mul3A_302 : i32
      %dma_start3A = arith.constant 0 : i32
      %dma_start3A_305 = arith.constant 0 : i32
      %dma_start3A_306 = tpu.memref_slice %arg5[%dma_start3A, %dma_start3A_305] : memref<2x80xi32, #tpu.memory_space<vmem>> -> memref<1x80xi32, #tpu.memory_space<vmem>>
      %dma_start3A_307 = tpu.memref_squeeze %dma_start3A_306 : memref<1x80xi32, #tpu.memory_space<vmem>> -> memref<80xi32, #tpu.memory_space<vmem>>
      %dma_start3A_308 = tpu.memref_slice %arg3[%add3A_304] : memref<10000xi32, #tpu.memory_space<hbm>> -> memref<80xi32, #tpu.memory_space<hbm>>
      %dma_start3A_309 = arith.constant 0 : i32
      %dma_start3A_310 = tpu.memref_slice %arg5[%dma_start3A, %dma_start3A_309] : memref<2x80xi32, #tpu.memory_space<vmem>> -> memref<1x80xi32, #tpu.memory_space<vmem>>
      %dma_start3A_311 = tpu.memref_squeeze %dma_start3A_310 : memref<1x80xi32, #tpu.memory_space<vmem>> -> memref<80xi32, #tpu.memory_space<vmem>>
      %dma_start3A_312 = tpu.memref_slice %arg3[%add3A_304] : memref<10000xi32, #tpu.memory_space<hbm>> -> memref<80xi32, #tpu.memory_space<hbm>>
      tpu.enqueue_dma source(%dma_start3A_312 : memref<80xi32, #tpu.memory_space<hbm>>) target(%dma_start3A_311 : memref<80xi32, #tpu.memory_space<vmem>>) target_semaphore(%arg9 : memref<!tpu.dma_semaphore, #tpu.memory_space<semaphore_mem>>)
      %dma_start3A_313 = arith.constant 0 : i32
      %dma_start3A_314 = arith.constant 0 : i32
      %dma_start3A_315 = arith.constant 0 : i32
      %dma_start3A_316 = tpu.memref_slice %arg6[%dma_start3A_313, %dma_start3A_314, %dma_start3A_315] : memref<2x80x128xf32, #tpu.memory_space<vmem>> -> memref<1x80x128xf32, #tpu.memory_space<vmem>>
      %dma_start3A_317 = tpu.memref_squeeze %dma_start3A_316 : memref<1x80x128xf32, #tpu.memory_space<vmem>> -> memref<80x128xf32, #tpu.memory_space<vmem>>
      %dma_start3A_318 = arith.constant 0 : i32
      %dma_start3A_319 = tpu.memref_slice %arg2[%add3A_304, %dma_start3A_318] : memref<10000x128xf32, #tpu.memory_space<hbm>> -> memref<80x128xf32, #tpu.memory_space<hbm>>
      %dma_start3A_320 = arith.constant 0 : i32
      %dma_start3A_321 = arith.constant 0 : i32
      %dma_start3A_322 = tpu.memref_slice %arg6[%dma_start3A_313, %dma_start3A_320, %dma_start3A_321] : memref<2x80x128xf32, #tpu.memory_space<vmem>> -> memref<1x80x128xf32, #tpu.memory_space<vmem>>
      %dma_start3A_323 = tpu.memref_squeeze %dma_start3A_322 : memref<1x80x128xf32, #tpu.memory_space<vmem>> -> memref<80x128xf32, #tpu.memory_space<vmem>>
      %dma_start3A_324 = arith.constant 0 : i32
      %dma_start3A_325 = tpu.memref_slice %arg2[%add3A_304, %dma_start3A_324] : memref<10000x128xf32, #tpu.memory_space<hbm>> -> memref<80x128xf32, #tpu.memory_space<hbm>>
      tpu.enqueue_dma source(%dma_start3A_325 : memref<80x128xf32, #tpu.memory_space<hbm>>) target(%dma_start3A_323 : memref<80x128xf32, #tpu.memory_space<vmem>>) target_semaphore(%arg9 : memref<!tpu.dma_semaphore, #tpu.memory_space<semaphore_mem>>)
    } else {
    }
    %add3A_5 = arith.constant 32 : i32
    %add3A_6 = arith.addi %add3A, %add3A_5 : i32
    %lt3A_7 = arith.constant 61 : i32
    %lt3A_8 = arith.cmpi slt, %add3A_6, %lt3A_7 : i32
    %convert_element_type3A_9 = arith.extui %lt3A_8 : i1 to i32
    %cond3A_10 = arith.constant 0 : i32
    %cond3A_11 = arith.cmpi ne, %convert_element_type3A_9, %cond3A_10 : i32
    scf.if %cond3A_11 {
      %mul3A_301 = arith.constant 80 : i32
      %mul3A_302 = arith.muli %add3A_6, %mul3A_301 : i32
      %add3A_303 = arith.constant 5120 : i32
      %add3A_304 = arith.addi %add3A_303, %mul3A_302 : i32
      %dma_start3A = arith.constant 1 : i32
      %dma_start3A_305 = arith.constant 0 : i32
      %dma_start3A_306 = tpu.memref_slice %arg5[%dma_start3A, %dma_start3A_305] : memref<2x80xi32, #tpu.memory_space<vmem>> -> memref<1x80xi32, #tpu.memory_space<vmem>>
      %dma_start3A_307 = tpu.memref_squeeze %dma_start3A_306 : memref<1x80xi32, #tpu.memory_space<vmem>> -> memref<80xi32, #tpu.memory_space<vmem>>
      %dma_start3A_308 = tpu.memref_slice %arg3[%add3A_304] : memref<10000xi32, #tpu.memory_space<hbm>> -> memref<80xi32, #tpu.memory_space<hbm>>
      %dma_start3A_309 = arith.constant 0 : i32
      %dma_start3A_310 = tpu.memref_slice %arg5[%dma_start3A, %dma_start3A_309] : memref<2x80xi32, #tpu.memory_space<vmem>> -> memref<1x80xi32, #tpu.memory_space<vmem>>
      %dma_start3A_311 = tpu.memref_squeeze %dma_start3A_310 : memref<1x80xi32, #tpu.memory_space<vmem>> -> memref<80xi32, #tpu.memory_space<vmem>>
      %dma_start3A_312 = tpu.memref_slice %arg3[%add3A_304] : memref<10000xi32, #tpu.memory_space<hbm>> -> memref<80xi32, #tpu.memory_space<hbm>>
      tpu.enqueue_dma source(%dma_start3A_312 : memref<80xi32, #tpu.memory_space<hbm>>) target(%dma_start3A_311 : memref<80xi32, #tpu.memory_space<vmem>>) target_semaphore(%arg10 : memref<!tpu.dma_semaphore, #tpu.memory_space<semaphore_mem>>)
      %dma_start3A_313 = arith.constant 1 : i32
      %dma_start3A_314 = arith.constant 0 : i32
      %dma_start3A_315 = arith.constant 0 : i32
      %dma_start3A_316 = tpu.memref_slice %arg6[%dma_start3A_313, %dma_start3A_314, %dma_start3A_315] : memref<2x80x128xf32, #tpu.memory_space<vmem>> -> memref<1x80x128xf32, #tpu.memory_space<vmem>>
      %dma_start3A_317 = tpu.memref_squeeze %dma_start3A_316 : memref<1x80x128xf32, #tpu.memory_space<vmem>> -> memref<80x128xf32, #tpu.memory_space<vmem>>
      %dma_start3A_318 = arith.constant 0 : i32
      %dma_start3A_319 = tpu.memref_slice %arg2[%add3A_304, %dma_start3A_318] : memref<10000x128xf32, #tpu.memory_space<hbm>> -> memref<80x128xf32, #tpu.memory_space<hbm>>
      %dma_start3A_320 = arith.constant 0 : i32
      %dma_start3A_321 = arith.constant 0 : i32
      %dma_start3A_322 = tpu.memref_slice %arg6[%dma_start3A_313, %dma_start3A_320, %dma_start3A_321] : memref<2x80x128xf32, #tpu.memory_space<vmem>> -> memref<1x80x128xf32, #tpu.memory_space<vmem>>
      %dma_start3A_323 = tpu.memref_squeeze %dma_start3A_322 : memref<1x80x128xf32, #tpu.memory_space<vmem>> -> memref<80x128xf32, #tpu.memory_space<vmem>>
      %dma_start3A_324 = arith.constant 0 : i32
      %dma_start3A_325 = tpu.memref_slice %arg2[%add3A_304, %dma_start3A_324] : memref<10000x128xf32, #tpu.memory_space<hbm>> -> memref<80x128xf32, #tpu.memory_space<hbm>>
      tpu.enqueue_dma source(%dma_start3A_325 : memref<80x128xf32, #tpu.memory_space<hbm>>) target(%dma_start3A_323 : memref<80x128xf32, #tpu.memory_space<vmem>>) target_semaphore(%arg10 : memref<!tpu.dma_semaphore, #tpu.memory_space<semaphore_mem>>)
    } else {
    }
    %broadcast_in_dim3A = arith.constant 0.000000e+00 : f32
    %broadcast_in_dim3A_12 = vector.broadcast %broadcast_in_dim3A : f32 to vector<16xf32>
    %swap3A = arith.constant 0 : i32
    %swap3A_13 = arith.index_cast %swap3A : i32 to index
    %swap3A_14 = arith.constant 0 : index
    %swap3A_15 = tpu.vector_load %arg7[%swap3A_13, %swap3A_14] {strides = array<i32>} : memref<4x128xf32, #tpu.memory_space<vmem>>, vector<1x16xf32>,
    %swap3A_16 = vector.shape_cast %swap3A_15 : vector<1x16xf32> to vector<16xf32>
    %swap3A_17 = vector.shape_cast %broadcast_in_dim3A_12 : vector<16xf32> to vector<1x16xf32>
    tpu.vector_store %arg7[%swap3A_13, %swap3A_14], %swap3A_17 {strides = array<i32>} : memref<4x128xf32, #tpu.memory_space<vmem>>, vector<1x16xf32>,
    %broadcast_in_dim3A_18 = arith.constant 0.000000e+00 : f32
    %broadcast_in_dim3A_19 = vector.broadcast %broadcast_in_dim3A_18 : f32 to vector<16xf32>
    %swap3A_20 = arith.constant 0 : i32
    %swap3A_21 = arith.index_cast %swap3A_20 : i32 to index
    %swap3A_22 = arith.constant 16 : index
    %swap3A_23 = tpu.vector_load %arg7[%swap3A_21, %swap3A_22] {strides = array<i32>} : memref<4x128xf32, #tpu.memory_space<vmem>>, vector<1x16xf32>,
    %swap3A_24 = vector.shape_cast %swap3A_23 : vector<1x16xf32> to vector<16xf32>
    %swap3A_25 = vector.shape_cast %broadcast_in_dim3A_19 : vector<16xf32> to vector<1x16xf32>
    tpu.vector_store %arg7[%swap3A_21, %swap3A_22], %swap3A_25 {strides = array<i32>} : memref<4x128xf32, #tpu.memory_space<vmem>>, vector<1x16xf32>,
    %broadcast_in_dim3A_26 = arith.constant 0.000000e+00 : f32
    %broadcast_in_dim3A_27 = vector.broadcast %broadcast_in_dim3A_26 : f32 to vector<16xf32>
    %swap3A_28 = arith.constant 0 : i32
    %swap3A_29 = arith.index_cast %swap3A_28 : i32 to index
    %swap3A_30 = arith.constant 32 : index
    %swap3A_31 = tpu.vector_load %arg7[%swap3A_29, %swap3A_30] {strides = array<i32>} : memref<4x128xf32, #tpu.memory_space<vmem>>, vector<1x16xf32>,
    %swap3A_32 = vector.shape_cast %swap3A_31 : vector<1x16xf32> to vector<16xf32>
    %swap3A_33 = vector.shape_cast %broadcast_in_dim3A_27 : vector<16xf32> to vector<1x16xf32>
    tpu.vector_store %arg7[%swap3A_29, %swap3A_30], %swap3A_33 {strides = array<i32>} : memref<4x128xf32, #tpu.memory_space<vmem>>, vector<1x16xf32>,
    %broadcast_in_dim3A_34 = arith.constant 0.000000e+00 : f32
    %broadcast_in_dim3A_35 = vector.broadcast %broadcast_in_dim3A_34 : f32 to vector<16xf32>
    %swap3A_36 = arith.constant 0 : i32
    %swap3A_37 = arith.index_cast %swap3A_36 : i32 to index
    %swap3A_38 = arith.constant 48 : index
    %swap3A_39 = tpu.vector_load %arg7[%swap3A_37, %swap3A_38] {strides = array<i32>} : memref<4x128xf32, #tpu.memory_space<vmem>>, vector<1x16xf32>,
    %swap3A_40 = vector.shape_cast %swap3A_39 : vector<1x16xf32> to vector<16xf32>
    %swap3A_41 = vector.shape_cast %broadcast_in_dim3A_35 : vector<16xf32> to vector<1x16xf32>
    tpu.vector_store %arg7[%swap3A_37, %swap3A_38], %swap3A_41 {strides = array<i32>} : memref<4x128xf32, #tpu.memory_space<vmem>>, vector<1x16xf32>,
    %broadcast_in_dim3A_42 = arith.constant 0.000000e+00 : f32
    %broadcast_in_dim3A_43 = vector.broadcast %broadcast_in_dim3A_42 : f32 to vector<16xf32>
    %swap3A_44 = arith.constant 0 : i32
    %swap3A_45 = arith.index_cast %swap3A_44 : i32 to index
    %swap3A_46 = arith.constant 64 : index
    %swap3A_47 = tpu.vector_load %arg7[%swap3A_45, %swap3A_46] {strides = array<i32>} : memref<4x128xf32, #tpu.memory_space<vmem>>, vector<1x16xf32>,
    %swap3A_48 = vector.shape_cast %swap3A_47 : vector<1x16xf32> to vector<16xf32>
    %swap3A_49 = vector.shape_cast %broadcast_in_dim3A_43 : vector<16xf32> to vector<1x16xf32>
    tpu.vector_store %arg7[%swap3A_45, %swap3A_46], %swap3A_49 {strides = array<i32>} : memref<4x128xf32, #tpu.memory_space<vmem>>, vector<1x16xf32>,
    %broadcast_in_dim3A_50 = arith.constant 0.000000e+00 : f32
    %broadcast_in_dim3A_51 = vector.broadcast %broadcast_in_dim3A_50 : f32 to vector<16xf32>
    %swap3A_52 = arith.constant 0 : i32
    %swap3A_53 = arith.index_cast %swap3A_52 : i32 to index
    %swap3A_54 = arith.constant 80 : index
    %swap3A_55 = tpu.vector_load %arg7[%swap3A_53, %swap3A_54] {strides = array<i32>} : memref<4x128xf32, #tpu.memory_space<vmem>>, vector<1x16xf32>,
    %swap3A_56 = vector.shape_cast %swap3A_55 : vector<1x16xf32> to vector<16xf32>
    %swap3A_57 = vector.shape_cast %broadcast_in_dim3A_51 : vector<16xf32> to vector<1x16xf32>
    tpu.vector_store %arg7[%swap3A_53, %swap3A_54], %swap3A_57 {strides = array<i32>} : memref<4x128xf32, #tpu.memory_space<vmem>>, vector<1x16xf32>,
    %broadcast_in_dim3A_58 = arith.constant 0.000000e+00 : f32
    %broadcast_in_dim3A_59 = vector.broadcast %broadcast_in_dim3A_58 : f32 to vector<16xf32>
    %swap3A_60 = arith.constant 0 : i32
    %swap3A_61 = arith.index_cast %swap3A_60 : i32 to index
    %swap3A_62 = arith.constant 96 : index
    %swap3A_63 = tpu.vector_load %arg7[%swap3A_61, %swap3A_62] {strides = array<i32>} : memref<4x128xf32, #tpu.memory_space<vmem>>, vector<1x16xf32>,
    %swap3A_64 = vector.shape_cast %swap3A_63 : vector<1x16xf32> to vector<16xf32>
    %swap3A_65 = vector.shape_cast %broadcast_in_dim3A_59 : vector<16xf32> to vector<1x16xf32>
    tpu.vector_store %arg7[%swap3A_61, %swap3A_62], %swap3A_65 {strides = array<i32>} : memref<4x128xf32, #tpu.memory_space<vmem>>, vector<1x16xf32>,
    %broadcast_in_dim3A_66 = arith.constant 0.000000e+00 : f32
    %broadcast_in_dim3A_67 = vector.broadcast %broadcast_in_dim3A_66 : f32 to vector<16xf32>
    %swap3A_68 = arith.constant 0 : i32
    %swap3A_69 = arith.index_cast %swap3A_68 : i32 to index
    %swap3A_70 = arith.constant 112 : index
    %swap3A_71 = tpu.vector_load %arg7[%swap3A_69, %swap3A_70] {strides = array<i32>} : memref<4x128xf32, #tpu.memory_space<vmem>>, vector<1x16xf32>,
    %swap3A_72 = vector.shape_cast %swap3A_71 : vector<1x16xf32> to vector<16xf32>
    %swap3A_73 = vector.shape_cast %broadcast_in_dim3A_67 : vector<16xf32> to vector<1x16xf32>
    tpu.vector_store %arg7[%swap3A_69, %swap3A_70], %swap3A_73 {strides = array<i32>} : memref<4x128xf32, #tpu.memory_space<vmem>>, vector<1x16xf32>,
    %broadcast_in_dim3A_74 = arith.constant 0.000000e+00 : f32
    %broadcast_in_dim3A_75 = vector.broadcast %broadcast_in_dim3A_74 : f32 to vector<16xf32>
    %swap3A_76 = arith.constant 1 : i32
    %swap3A_77 = arith.index_cast %swap3A_76 : i32 to index
    %swap3A_78 = arith.constant 0 : index
    %swap3A_79 = tpu.vector_load %arg7[%swap3A_77, %swap3A_78] {strides = array<i32>} : memref<4x128xf32, #tpu.memory_space<vmem>>, vector<1x16xf32>,
    %swap3A_80 = vector.shape_cast %swap3A_79 : vector<1x16xf32> to vector<16xf32>
    %swap3A_81 = vector.shape_cast %broadcast_in_dim3A_75 : vector<16xf32> to vector<1x16xf32>
    tpu.vector_store %arg7[%swap3A_77, %swap3A_78], %swap3A_81 {strides = array<i32>} : memref<4x128xf32, #tpu.memory_space<vmem>>, vector<1x16xf32>,
    %broadcast_in_dim3A_82 = arith.constant 0.000000e+00 : f32
    %broadcast_in_dim3A_83 = vector.broadcast %broadcast_in_dim3A_82 : f32 to vector<16xf32>
    %swap3A_84 = arith.constant 1 : i32
    %swap3A_85 = arith.index_cast %swap3A_84 : i32 to index
    %swap3A_86 = arith.constant 16 : index
    %swap3A_87 = tpu.vector_load %arg7[%swap3A_85, %swap3A_86] {strides = array<i32>} : memref<4x128xf32, #tpu.memory_space<vmem>>, vector<1x16xf32>,
    %swap3A_88 = vector.shape_cast %swap3A_87 : vector<1x16xf32> to vector<16xf32>
    %swap3A_89 = vector.shape_cast %broadcast_in_dim3A_83 : vector<16xf32> to vector<1x16xf32>
    tpu.vector_store %arg7[%swap3A_85, %swap3A_86], %swap3A_89 {strides = array<i32>} : memref<4x128xf32, #tpu.memory_space<vmem>>, vector<1x16xf32>,
    %broadcast_in_dim3A_90 = arith.constant 0.000000e+00 : f32
    %broadcast_in_dim3A_91 = vector.broadcast %broadcast_in_dim3A_90 : f32 to vector<16xf32>
    %swap3A_92 = arith.constant 1 : i32
    %swap3A_93 = arith.index_cast %swap3A_92 : i32 to index
    %swap3A_94 = arith.constant 32 : index
    %swap3A_95 = tpu.vector_load %arg7[%swap3A_93, %swap3A_94] {strides = array<i32>} : memref<4x128xf32, #tpu.memory_space<vmem>>, vector<1x16xf32>,
    %swap3A_96 = vector.shape_cast %swap3A_95 : vector<1x16xf32> to vector<16xf32>
    %swap3A_97 = vector.shape_cast %broadcast_in_dim3A_91 : vector<16xf32> to vector<1x16xf32>
    tpu.vector_store %arg7[%swap3A_93, %swap3A_94], %swap3A_97 {strides = array<i32>} : memref<4x128xf32, #tpu.memory_space<vmem>>, vector<1x16xf32>,
    %broadcast_in_dim3A_98 = arith.constant 0.000000e+00 : f32
    %broadcast_in_dim3A_99 = vector.broadcast %broadcast_in_dim3A_98 : f32 to vector<16xf32>
    %swap3A_100 = arith.constant 1 : i32
    %swap3A_101 = arith.index_cast %swap3A_100 : i32 to index
    %swap3A_102 = arith.constant 48 : index
    %swap3A_103 = tpu.vector_load %arg7[%swap3A_101, %swap3A_102] {strides = array<i32>} : memref<4x128xf32, #tpu.memory_space<vmem>>, vector<1x16xf32>,
    %swap3A_104 = vector.shape_cast %swap3A_103 : vector<1x16xf32> to vector<16xf32>
    %swap3A_105 = vector.shape_cast %broadcast_in_dim3A_99 : vector<16xf32> to vector<1x16xf32>
    tpu.vector_store %arg7[%swap3A_101, %swap3A_102], %swap3A_105 {strides = array<i32>} : memref<4x128xf32, #tpu.memory_space<vmem>>, vector<1x16xf32>,
    %broadcast_in_dim3A_106 = arith.constant 0.000000e+00 : f32
    %broadcast_in_dim3A_107 = vector.broadcast %broadcast_in_dim3A_106 : f32 to vector<16xf32>
    %swap3A_108 = arith.constant 1 : i32
    %swap3A_109 = arith.index_cast %swap3A_108 : i32 to index
    %swap3A_110 = arith.constant 64 : index
    %swap3A_111 = tpu.vector_load %arg7[%swap3A_109, %swap3A_110] {strides = array<i32>} : memref<4x128xf32, #tpu.memory_space<vmem>>, vector<1x16xf32>,
    %swap3A_112 = vector.shape_cast %swap3A_111 : vector<1x16xf32> to vector<16xf32>
    %swap3A_113 = vector.shape_cast %broadcast_in_dim3A_107 : vector<16xf32> to vector<1x16xf32>
    tpu.vector_store %arg7[%swap3A_109, %swap3A_110], %swap3A_113 {strides = array<i32>} : memref<4x128xf32, #tpu.memory_space<vmem>>, vector<1x16xf32>,
    %broadcast_in_dim3A_114 = arith.constant 0.000000e+00 : f32
    %broadcast_in_dim3A_115 = vector.broadcast %broadcast_in_dim3A_114 : f32 to vector<16xf32>
    %swap3A_116 = arith.constant 1 : i32
    %swap3A_117 = arith.index_cast %swap3A_116 : i32 to index
    %swap3A_118 = arith.constant 80 : index
    %swap3A_119 = tpu.vector_load %arg7[%swap3A_117, %swap3A_118] {strides = array<i32>} : memref<4x128xf32, #tpu.memory_space<vmem>>, vector<1x16xf32>,
    %swap3A_120 = vector.shape_cast %swap3A_119 : vector<1x16xf32> to vector<16xf32>
    %swap3A_121 = vector.shape_cast %broadcast_in_dim3A_115 : vector<16xf32> to vector<1x16xf32>
    tpu.vector_store %arg7[%swap3A_117, %swap3A_118], %swap3A_121 {strides = array<i32>} : memref<4x128xf32, #tpu.memory_space<vmem>>, vector<1x16xf32>,
    %broadcast_in_dim3A_122 = arith.constant 0.000000e+00 : f32
    %broadcast_in_dim3A_123 = vector.broadcast %broadcast_in_dim3A_122 : f32 to vector<16xf32>
    %swap3A_124 = arith.constant 1 : i32
    %swap3A_125 = arith.index_cast %swap3A_124 : i32 to index
    %swap3A_126 = arith.constant 96 : index
    %swap3A_127 = tpu.vector_load %arg7[%swap3A_125, %swap3A_126] {strides = array<i32>} : memref<4x128xf32, #tpu.memory_space<vmem>>, vector<1x16xf32>,
    %swap3A_128 = vector.shape_cast %swap3A_127 : vector<1x16xf32> to vector<16xf32>
    %swap3A_129 = vector.shape_cast %broadcast_in_dim3A_123 : vector<16xf32> to vector<1x16xf32>
    tpu.vector_store %arg7[%swap3A_125, %swap3A_126], %swap3A_129 {strides = array<i32>} : memref<4x128xf32, #tpu.memory_space<vmem>>, vector<1x16xf32>,
    %broadcast_in_dim3A_130 = arith.constant 0.000000e+00 : f32
    %broadcast_in_dim3A_131 = vector.broadcast %broadcast_in_dim3A_130 : f32 to vector<16xf32>
    %swap3A_132 = arith.constant 1 : i32
    %swap3A_133 = arith.index_cast %swap3A_132 : i32 to index
    %swap3A_134 = arith.constant 112 : index
    %swap3A_135 = tpu.vector_load %arg7[%swap3A_133, %swap3A_134] {strides = array<i32>} : memref<4x128xf32, #tpu.memory_space<vmem>>, vector<1x16xf32>,
    %swap3A_136 = vector.shape_cast %swap3A_135 : vector<1x16xf32> to vector<16xf32>
    %swap3A_137 = vector.shape_cast %broadcast_in_dim3A_131 : vector<16xf32> to vector<1x16xf32>
    tpu.vector_store %arg7[%swap3A_133, %swap3A_134], %swap3A_137 {strides = array<i32>} : memref<4x128xf32, #tpu.memory_space<vmem>>, vector<1x16xf32>,
    %broadcast_in_dim3A_138 = arith.constant 0.000000e+00 : f32
    %broadcast_in_dim3A_139 = vector.broadcast %broadcast_in_dim3A_138 : f32 to vector<16xf32>
    %swap3A_140 = arith.constant 2 : i32
    %swap3A_141 = arith.index_cast %swap3A_140 : i32 to index
    %swap3A_142 = arith.constant 0 : index
    %swap3A_143 = tpu.vector_load %arg7[%swap3A_141, %swap3A_142] {strides = array<i32>} : memref<4x128xf32, #tpu.memory_space<vmem>>, vector<1x16xf32>,
    %swap3A_144 = vector.shape_cast %swap3A_143 : vector<1x16xf32> to vector<16xf32>
    %swap3A_145 = vector.shape_cast %broadcast_in_dim3A_139 : vector<16xf32> to vector<1x16xf32>
    tpu.vector_store %arg7[%swap3A_141, %swap3A_142], %swap3A_145 {strides = array<i32>} : memref<4x128xf32, #tpu.memory_space<vmem>>, vector<1x16xf32>,
    %broadcast_in_dim3A_146 = arith.constant 0.000000e+00 : f32
    %broadcast_in_dim3A_147 = vector.broadcast %broadcast_in_dim3A_146 : f32 to vector<16xf32>
    %swap3A_148 = arith.constant 2 : i32
    %swap3A_149 = arith.index_cast %swap3A_148 : i32 to index
    %swap3A_150 = arith.constant 16 : index
    %swap3A_151 = tpu.vector_load %arg7[%swap3A_149, %swap3A_150] {strides = array<i32>} : memref<4x128xf32, #tpu.memory_space<vmem>>, vector<1x16xf32>,
    %swap3A_152 = vector.shape_cast %swap3A_151 : vector<1x16xf32> to vector<16xf32>
    %swap3A_153 = vector.shape_cast %broadcast_in_dim3A_147 : vector<16xf32> to vector<1x16xf32>
    tpu.vector_store %arg7[%swap3A_149, %swap3A_150], %swap3A_153 {strides = array<i32>} : memref<4x128xf32, #tpu.memory_space<vmem>>, vector<1x16xf32>,
    %broadcast_in_dim3A_154 = arith.constant 0.000000e+00 : f32
    %broadcast_in_dim3A_155 = vector.broadcast %broadcast_in_dim3A_154 : f32 to vector<16xf32>
    %swap3A_156 = arith.constant 2 : i32
    %swap3A_157 = arith.index_cast %swap3A_156 : i32 to index
    %swap3A_158 = arith.constant 32 : index
    %swap3A_159 = tpu.vector_load %arg7[%swap3A_157, %swap3A_158] {strides = array<i32>} : memref<4x128xf32, #tpu.memory_space<vmem>>, vector<1x16xf32>,
    %swap3A_160 = vector.shape_cast %swap3A_159 : vector<1x16xf32> to vector<16xf32>
    %swap3A_161 = vector.shape_cast %broadcast_in_dim3A_155 : vector<16xf32> to vector<1x16xf32>
    tpu.vector_store %arg7[%swap3A_157, %swap3A_158], %swap3A_161 {strides = array<i32>} : memref<4x128xf32, #tpu.memory_space<vmem>>, vector<1x16xf32>,
    %broadcast_in_dim3A_162 = arith.constant 0.000000e+00 : f32
    %broadcast_in_dim3A_163 = vector.broadcast %broadcast_in_dim3A_162 : f32 to vector<16xf32>
    %swap3A_164 = arith.constant 2 : i32
    %swap3A_165 = arith.index_cast %swap3A_164 : i32 to index
    %swap3A_166 = arith.constant 48 : index
    %swap3A_167 = tpu.vector_load %arg7[%swap3A_165, %swap3A_166] {strides = array<i32>} : memref<4x128xf32, #tpu.memory_space<vmem>>, vector<1x16xf32>,
    %swap3A_168 = vector.shape_cast %swap3A_167 : vector<1x16xf32> to vector<16xf32>
    %swap3A_169 = vector.shape_cast %broadcast_in_dim3A_163 : vector<16xf32> to vector<1x16xf32>
    tpu.vector_store %arg7[%swap3A_165, %swap3A_166], %swap3A_169 {strides = array<i32>} : memref<4x128xf32, #tpu.memory_space<vmem>>, vector<1x16xf32>,
    %broadcast_in_dim3A_170 = arith.constant 0.000000e+00 : f32
    %broadcast_in_dim3A_171 = vector.broadcast %broadcast_in_dim3A_170 : f32 to vector<16xf32>
    %swap3A_172 = arith.constant 2 : i32
    %swap3A_173 = arith.index_cast %swap3A_172 : i32 to index
    %swap3A_174 = arith.constant 64 : index
    %swap3A_175 = tpu.vector_load %arg7[%swap3A_173, %swap3A_174] {strides = array<i32>} : memref<4x128xf32, #tpu.memory_space<vmem>>, vector<1x16xf32>,
    %swap3A_176 = vector.shape_cast %swap3A_175 : vector<1x16xf32> to vector<16xf32>
    %swap3A_177 = vector.shape_cast %broadcast_in_dim3A_171 : vector<16xf32> to vector<1x16xf32>
    tpu.vector_store %arg7[%swap3A_173, %swap3A_174], %swap3A_177 {strides = array<i32>} : memref<4x128xf32, #tpu.memory_space<vmem>>, vector<1x16xf32>,
    %broadcast_in_dim3A_178 = arith.constant 0.000000e+00 : f32
    %broadcast_in_dim3A_179 = vector.broadcast %broadcast_in_dim3A_178 : f32 to vector<16xf32>
    %swap3A_180 = arith.constant 2 : i32
    %swap3A_181 = arith.index_cast %swap3A_180 : i32 to index
    %swap3A_182 = arith.constant 80 : index
    %swap3A_183 = tpu.vector_load %arg7[%swap3A_181, %swap3A_182] {strides = array<i32>} : memref<4x128xf32, #tpu.memory_space<vmem>>, vector<1x16xf32>,
    %swap3A_184 = vector.shape_cast %swap3A_183 : vector<1x16xf32> to vector<16xf32>
    %swap3A_185 = vector.shape_cast %broadcast_in_dim3A_179 : vector<16xf32> to vector<1x16xf32>
    tpu.vector_store %arg7[%swap3A_181, %swap3A_182], %swap3A_185 {strides = array<i32>} : memref<4x128xf32, #tpu.memory_space<vmem>>, vector<1x16xf32>,
    %broadcast_in_dim3A_186 = arith.constant 0.000000e+00 : f32
    %broadcast_in_dim3A_187 = vector.broadcast %broadcast_in_dim3A_186 : f32 to vector<16xf32>
    %swap3A_188 = arith.constant 2 : i32
    %swap3A_189 = arith.index_cast %swap3A_188 : i32 to index
    %swap3A_190 = arith.constant 96 : index
    %swap3A_191 = tpu.vector_load %arg7[%swap3A_189, %swap3A_190] {strides = array<i32>} : memref<4x128xf32, #tpu.memory_space<vmem>>, vector<1x16xf32>,
    %swap3A_192 = vector.shape_cast %swap3A_191 : vector<1x16xf32> to vector<16xf32>
    %swap3A_193 = vector.shape_cast %broadcast_in_dim3A_187 : vector<16xf32> to vector<1x16xf32>
    tpu.vector_store %arg7[%swap3A_189, %swap3A_190], %swap3A_193 {strides = array<i32>} : memref<4x128xf32, #tpu.memory_space<vmem>>, vector<1x16xf32>,
    %broadcast_in_dim3A_194 = arith.constant 0.000000e+00 : f32
    %broadcast_in_dim3A_195 = vector.broadcast %broadcast_in_dim3A_194 : f32 to vector<16xf32>
    %swap3A_196 = arith.constant 2 : i32
    %swap3A_197 = arith.index_cast %swap3A_196 : i32 to index
    %swap3A_198 = arith.constant 112 : index
    %swap3A_199 = tpu.vector_load %arg7[%swap3A_197, %swap3A_198] {strides = array<i32>} : memref<4x128xf32, #tpu.memory_space<vmem>>, vector<1x16xf32>,
    %swap3A_200 = vector.shape_cast %swap3A_199 : vector<1x16xf32> to vector<16xf32>
    %swap3A_201 = vector.shape_cast %broadcast_in_dim3A_195 : vector<16xf32> to vector<1x16xf32>
    tpu.vector_store %arg7[%swap3A_197, %swap3A_198], %swap3A_201 {strides = array<i32>} : memref<4x128xf32, #tpu.memory_space<vmem>>, vector<1x16xf32>,
    %broadcast_in_dim3A_202 = arith.constant 0.000000e+00 : f32
    %broadcast_in_dim3A_203 = vector.broadcast %broadcast_in_dim3A_202 : f32 to vector<16xf32>
    %swap3A_204 = arith.constant 3 : i32
    %swap3A_205 = arith.index_cast %swap3A_204 : i32 to index
    %swap3A_206 = arith.constant 0 : index
    %swap3A_207 = tpu.vector_load %arg7[%swap3A_205, %swap3A_206] {strides = array<i32>} : memref<4x128xf32, #tpu.memory_space<vmem>>, vector<1x16xf32>,
    %swap3A_208 = vector.shape_cast %swap3A_207 : vector<1x16xf32> to vector<16xf32>
    %swap3A_209 = vector.shape_cast %broadcast_in_dim3A_203 : vector<16xf32> to vector<1x16xf32>
    tpu.vector_store %arg7[%swap3A_205, %swap3A_206], %swap3A_209 {strides = array<i32>} : memref<4x128xf32, #tpu.memory_space<vmem>>, vector<1x16xf32>,
    %broadcast_in_dim3A_210 = arith.constant 0.000000e+00 : f32
    %broadcast_in_dim3A_211 = vector.broadcast %broadcast_in_dim3A_210 : f32 to vector<16xf32>
    %swap3A_212 = arith.constant 3 : i32
    %swap3A_213 = arith.index_cast %swap3A_212 : i32 to index
    %swap3A_214 = arith.constant 16 : index
    %swap3A_215 = tpu.vector_load %arg7[%swap3A_213, %swap3A_214] {strides = array<i32>} : memref<4x128xf32, #tpu.memory_space<vmem>>, vector<1x16xf32>,
    %swap3A_216 = vector.shape_cast %swap3A_215 : vector<1x16xf32> to vector<16xf32>
    %swap3A_217 = vector.shape_cast %broadcast_in_dim3A_211 : vector<16xf32> to vector<1x16xf32>
    tpu.vector_store %arg7[%swap3A_213, %swap3A_214], %swap3A_217 {strides = array<i32>} : memref<4x128xf32, #tpu.memory_space<vmem>>, vector<1x16xf32>,
    %broadcast_in_dim3A_218 = arith.constant 0.000000e+00 : f32
    %broadcast_in_dim3A_219 = vector.broadcast %broadcast_in_dim3A_218 : f32 to vector<16xf32>
    %swap3A_220 = arith.constant 3 : i32
    %swap3A_221 = arith.index_cast %swap3A_220 : i32 to index
    %swap3A_222 = arith.constant 32 : index
    %swap3A_223 = tpu.vector_load %arg7[%swap3A_221, %swap3A_222] {strides = array<i32>} : memref<4x128xf32, #tpu.memory_space<vmem>>, vector<1x16xf32>,
    %swap3A_224 = vector.shape_cast %swap3A_223 : vector<1x16xf32> to vector<16xf32>
    %swap3A_225 = vector.shape_cast %broadcast_in_dim3A_219 : vector<16xf32> to vector<1x16xf32>
    tpu.vector_store %arg7[%swap3A_221, %swap3A_222], %swap3A_225 {strides = array<i32>} : memref<4x128xf32, #tpu.memory_space<vmem>>, vector<1x16xf32>,
    %broadcast_in_dim3A_226 = arith.constant 0.000000e+00 : f32
    %broadcast_in_dim3A_227 = vector.broadcast %broadcast_in_dim3A_226 : f32 to vector<16xf32>
    %swap3A_228 = arith.constant 3 : i32
    %swap3A_229 = arith.index_cast %swap3A_228 : i32 to index
    %swap3A_230 = arith.constant 48 : index
    %swap3A_231 = tpu.vector_load %arg7[%swap3A_229, %swap3A_230] {strides = array<i32>} : memref<4x128xf32, #tpu.memory_space<vmem>>, vector<1x16xf32>,
    %swap3A_232 = vector.shape_cast %swap3A_231 : vector<1x16xf32> to vector<16xf32>
    %swap3A_233 = vector.shape_cast %broadcast_in_dim3A_227 : vector<16xf32> to vector<1x16xf32>
    tpu.vector_store %arg7[%swap3A_229, %swap3A_230], %swap3A_233 {strides = array<i32>} : memref<4x128xf32, #tpu.memory_space<vmem>>, vector<1x16xf32>,
    %broadcast_in_dim3A_234 = arith.constant 0.000000e+00 : f32
    %broadcast_in_dim3A_235 = vector.broadcast %broadcast_in_dim3A_234 : f32 to vector<16xf32>
    %swap3A_236 = arith.constant 3 : i32
    %swap3A_237 = arith.index_cast %swap3A_236 : i32 to index
    %swap3A_238 = arith.constant 64 : index
    %swap3A_239 = tpu.vector_load %arg7[%swap3A_237, %swap3A_238] {strides = array<i32>} : memref<4x128xf32, #tpu.memory_space<vmem>>, vector<1x16xf32>,
    %swap3A_240 = vector.shape_cast %swap3A_239 : vector<1x16xf32> to vector<16xf32>
    %swap3A_241 = vector.shape_cast %broadcast_in_dim3A_235 : vector<16xf32> to vector<1x16xf32>
    tpu.vector_store %arg7[%swap3A_237, %swap3A_238], %swap3A_241 {strides = array<i32>} : memref<4x128xf32, #tpu.memory_space<vmem>>, vector<1x16xf32>,
    %broadcast_in_dim3A_242 = arith.constant 0.000000e+00 : f32
    %broadcast_in_dim3A_243 = vector.broadcast %broadcast_in_dim3A_242 : f32 to vector<16xf32>
    %swap3A_244 = arith.constant 3 : i32
    %swap3A_245 = arith.index_cast %swap3A_244 : i32 to index
    %swap3A_246 = arith.constant 80 : index
    %swap3A_247 = tpu.vector_load %arg7[%swap3A_245, %swap3A_246] {strides = array<i32>} : memref<4x128xf32, #tpu.memory_space<vmem>>, vector<1x16xf32>,
    %swap3A_248 = vector.shape_cast %swap3A_247 : vector<1x16xf32> to vector<16xf32>
    %swap3A_249 = vector.shape_cast %broadcast_in_dim3A_243 : vector<16xf32> to vector<1x16xf32>
    tpu.vector_store %arg7[%swap3A_245, %swap3A_246], %swap3A_249 {strides = array<i32>} : memref<4x128xf32, #tpu.memory_space<vmem>>, vector<1x16xf32>,
    %broadcast_in_dim3A_250 = arith.constant 0.000000e+00 : f32
    %broadcast_in_dim3A_251 = vector.broadcast %broadcast_in_dim3A_250 : f32 to vector<16xf32>
    %swap3A_252 = arith.constant 3 : i32
    %swap3A_253 = arith.index_cast %swap3A_252 : i32 to index
    %swap3A_254 = arith.constant 96 : index
    %swap3A_255 = tpu.vector_load %arg7[%swap3A_253, %swap3A_254] {strides = array<i32>} : memref<4x128xf32, #tpu.memory_space<vmem>>, vector<1x16xf32>,
    %swap3A_256 = vector.shape_cast %swap3A_255 : vector<1x16xf32> to vector<16xf32>
    %swap3A_257 = vector.shape_cast %broadcast_in_dim3A_251 : vector<16xf32> to vector<1x16xf32>
    tpu.vector_store %arg7[%swap3A_253, %swap3A_254], %swap3A_257 {strides = array<i32>} : memref<4x128xf32, #tpu.memory_space<vmem>>, vector<1x16xf32>,
    %broadcast_in_dim3A_258 = arith.constant 0.000000e+00 : f32
    %broadcast_in_dim3A_259 = vector.broadcast %broadcast_in_dim3A_258 : f32 to vector<16xf32>
    %swap3A_260 = arith.constant 3 : i32
    %swap3A_261 = arith.index_cast %swap3A_260 : i32 to index
    %swap3A_262 = arith.constant 112 : index
    %swap3A_263 = tpu.vector_load %arg7[%swap3A_261, %swap3A_262] {strides = array<i32>} : memref<4x128xf32, #tpu.memory_space<vmem>>, vector<1x16xf32>,
    %swap3A_264 = vector.shape_cast %swap3A_263 : vector<1x16xf32> to vector<16xf32>
    %swap3A_265 = vector.shape_cast %broadcast_in_dim3A_259 : vector<16xf32> to vector<1x16xf32>
    tpu.vector_store %arg7[%swap3A_261, %swap3A_262], %swap3A_265 {strides = array<i32>} : memref<4x128xf32, #tpu.memory_space<vmem>>, vector<1x16xf32>,
    %mul3A_266 = arith.constant 4 : i32
    %mul3A_267 = arith.muli %arg1, %mul3A_266 : i32
    "tpu.region"() ({
      %run_scoped3A = tpu.sem_alloc : memref<!tpu.dma_semaphore, #tpu.memory_space<semaphore_mem>>
      %dma_start3A = arith.constant 0 : i32
      %dma_start3A_301 = tpu.memref_slice %arg8[%mul3A_267, %dma_start3A] : memref<64x128xf32, #tpu.memory_space<vmem_shared>> -> memref<4x128xf32, #tpu.memory_space<vmem_shared>>
      %dma_start3A_302 = arith.constant 0 : i32
      %dma_start3A_303 = tpu.memref_slice %arg8[%mul3A_267, %dma_start3A_302] : memref<64x128xf32, #tpu.memory_space<vmem_shared>> -> memref<4x128xf32, #tpu.memory_space<vmem_shared>>
      tpu.enqueue_dma source(%arg7 : memref<4x128xf32, #tpu.memory_space<vmem>>) target(%dma_start3A_303 : memref<4x128xf32, #tpu.memory_space<vmem_shared>>) target_semaphore(%run_scoped3A : memref<!tpu.dma_semaphore, #tpu.memory_space<semaphore_mem>>)
      %dma_wait3A = arith.constant 0 : i32
      %dma_wait3A_304 = tpu.memref_slice %arg8[%mul3A_267, %dma_wait3A] : memref<64x128xf32, #tpu.memory_space<vmem_shared>> -> memref<4x128xf32, #tpu.memory_space<vmem_shared>>
      %dma_wait3A_305 = arith.constant 0 : i32
      %dma_wait3A_306 = tpu.memref_slice %arg8[%mul3A_267, %dma_wait3A_305] : memref<64x128xf32, #tpu.memory_space<vmem_shared>> -> memref<4x128xf32, #tpu.memory_space<vmem_shared>>
      tpu.wait_dma2 semaphore(%run_scoped3A : memref<!tpu.dma_semaphore, #tpu.memory_space<semaphore_mem>>) src(%arg7 : memref<4x128xf32, #tpu.memory_space<vmem>>) dst(%dma_wait3A_306 : memref<4x128xf32, #tpu.memory_space<vmem_shared>>)
      tpu.yield
    }) : () -> ()
    %barrier3A = arith.constant 0 : index
    tpu.barrier barrier_id(%barrier3A)
    %add3A_268 = arith.constant 0 : i32
    %add3A_269 = arith.addi %add3A, %add3A_268 : i32
    %lt3A_270 = arith.constant 61 : i32
    %lt3A_271 = arith.cmpi slt, %add3A_269, %lt3A_270 : i32
    %convert_element_type3A_272 = arith.extui %lt3A_271 : i1 to i32
    %cond3A_273 = arith.constant 0 : i32
    %cond3A_274 = arith.cmpi ne, %convert_element_type3A_272, %cond3A_273 : i32
    scf.if %cond3A_274 {
      %mul3A_301 = arith.constant 80 : i32
      %mul3A_302 = arith.muli %add3A_269, %mul3A_301 : i32
      %add3A_303 = arith.constant 5120 : i32
      %add3A_304 = arith.addi %add3A_303, %mul3A_302 : i32
      %dma_wait3A = arith.constant 0 : i32
      %dma_wait3A_305 = arith.constant 0 : i32
      %dma_wait3A_306 = tpu.memref_slice %arg5[%dma_wait3A, %dma_wait3A_305] : memref<2x80xi32, #tpu.memory_space<vmem>> -> memref<1x80xi32, #tpu.memory_space<vmem>>
      %dma_wait3A_307 = tpu.memref_squeeze %dma_wait3A_306 : memref<1x80xi32, #tpu.memory_space<vmem>> -> memref<80xi32, #tpu.memory_space<vmem>>
      %dma_wait3A_308 = tpu.memref_slice %arg3[%add3A_304] : memref<10000xi32, #tpu.memory_space<hbm>> -> memref<80xi32, #tpu.memory_space<hbm>>
      %dma_wait3A_309 = arith.constant 0 : i32
      %dma_wait3A_310 = tpu.memref_slice %arg5[%dma_wait3A, %dma_wait3A_309] : memref<2x80xi32, #tpu.memory_space<vmem>> -> memref<1x80xi32, #tpu.memory_space<vmem>>
      %dma_wait3A_311 = tpu.memref_squeeze %dma_wait3A_310 : memref<1x80xi32, #tpu.memory_space<vmem>> -> memref<80xi32, #tpu.memory_space<vmem>>
      %dma_wait3A_312 = tpu.memref_slice %arg3[%add3A_304] : memref<10000xi32, #tpu.memory_space<hbm>> -> memref<80xi32, #tpu.memory_space<hbm>>
      tpu.wait_dma2 semaphore(%arg9 : memref<!tpu.dma_semaphore, #tpu.memory_space<semaphore_mem>>) src(%dma_wait3A_312 : memref<80xi32, #tpu.memory_space<hbm>>) dst(%dma_wait3A_311 : memref<80xi32, #tpu.memory_space<vmem>>)
      %dma_wait3A_313 = arith.constant 0 : i32
      %dma_wait3A_314 = arith.constant 0 : i32
      %dma_wait3A_315 = arith.constant 0 : i32
      %dma_wait3A_316 = tpu.memref_slice %arg6[%dma_wait3A_313, %dma_wait3A_314, %dma_wait3A_315] : memref<2x80x128xf32, #tpu.memory_space<vmem>> -> memref<1x80x128xf32, #tpu.memory_space<vmem>>
      %dma_wait3A_317 = tpu.memref_squeeze %dma_wait3A_316 : memref<1x80x128xf32, #tpu.memory_space<vmem>> -> memref<80x128xf32, #tpu.memory_space<vmem>>
      %dma_wait3A_318 = arith.constant 0 : i32
      %dma_wait3A_319 = tpu.memref_slice %arg2[%add3A_304, %dma_wait3A_318] : memref<10000x128xf32, #tpu.memory_space<hbm>> -> memref<80x128xf32, #tpu.memory_space<hbm>>
      %dma_wait3A_320 = arith.constant 0 : i32
      %dma_wait3A_321 = arith.constant 0 : i32
      %dma_wait3A_322 = tpu.memref_slice %arg6[%dma_wait3A_313, %dma_wait3A_320, %dma_wait3A_321] : memref<2x80x128xf32, #tpu.memory_space<vmem>> -> memref<1x80x128xf32, #tpu.memory_space<vmem>>
      %dma_wait3A_323 = tpu.memref_squeeze %dma_wait3A_322 : memref<1x80x128xf32, #tpu.memory_space<vmem>> -> memref<80x128xf32, #tpu.memory_space<vmem>>
      %dma_wait3A_324 = arith.constant 0 : i32
      %dma_wait3A_325 = tpu.memref_slice %arg2[%add3A_304, %dma_wait3A_324] : memref<10000x128xf32, #tpu.memory_space<hbm>> -> memref<80x128xf32, #tpu.memory_space<hbm>>
      tpu.wait_dma2 semaphore(%arg9 : memref<!tpu.dma_semaphore, #tpu.memory_space<semaphore_mem>>) src(%dma_wait3A_325 : memref<80x128xf32, #tpu.memory_space<hbm>>) dst(%dma_wait3A_323 : memref<80x128xf32, #tpu.memory_space<vmem>>)
      %dma_start3A = arith.constant 0 : i32
      %dma_start3A_326 = arith.constant 0 : i32
      %dma_start3A_327 = arith.constant 0 : i32
      %dma_start3A_328 = arith.constant 0 : i32
      %dma_start3A_329 = tpu.memref_slice %arg6[%dma_start3A, %dma_start3A_327, %dma_start3A_328] : memref<2x80x128xf32, #tpu.memory_space<vmem>> -> memref<1x80x128xf32, #tpu.memory_space<vmem>>
      %dma_start3A_330 = tpu.memref_squeeze %dma_start3A_329 : memref<1x80x128xf32, #tpu.memory_space<vmem>> -> memref<80x128xf32, #tpu.memory_space<vmem>>
      %dma_start3A_331 = arith.constant 0 : i32
      %dma_start3A_332 = tpu.memref_slice %arg5[%dma_start3A_326, %dma_start3A_331] : memref<2x80xi32, #tpu.memory_space<vmem>> -> memref<1x80xi32, #tpu.memory_space<vmem>>
      %dma_start3A_333 = tpu.memref_squeeze %dma_start3A_332 : memref<1x80xi32, #tpu.memory_space<vmem>> -> memref<80xi32, #tpu.memory_space<vmem>>
      %dma_start3A_334 = arith.constant 0 : i32
      %dma_start3A_335 = arith.constant 0 : i32
      %dma_start3A_336 = tpu.memref_slice %arg8[%dma_start3A_334, %dma_start3A_335] : memref<64x128xf32, #tpu.memory_space<vmem_shared>> -> memref<64x128xf32, #tpu.memory_space<vmem_shared>>
      tpu.enqueue_indirect_dma source(%dma_start3A_330 : memref<80x128xf32, #tpu.memory_space<vmem>>) target(%dma_start3A_336 : memref<64x128xf32, #tpu.memory_space<vmem_shared>>) offsets(%dma_start3A_333 : memref<80xi32, #tpu.memory_space<vmem>>) semaphore(%arg11 : memref<!tpu.dma_semaphore, #tpu.memory_space<semaphore_mem>>) {add = true}
    } else {
    }
    %add3A_275 = arith.constant 32 : i32
    %add3A_276 = arith.addi %add3A, %add3A_275 : i32
    %lt3A_277 = arith.constant 61 : i32
    %lt3A_278 = arith.cmpi slt, %add3A_276, %lt3A_277 : i32
    %convert_element_type3A_279 = arith.extui %lt3A_278 : i1 to i32
    %cond3A_280 = arith.constant 0 : i32
    %cond3A_281 = arith.cmpi ne, %convert_element_type3A_279, %cond3A_280 : i32
    scf.if %cond3A_281 {
      %mul3A_301 = arith.constant 80 : i32
      %mul3A_302 = arith.muli %add3A_276, %mul3A_301 : i32
      %add3A_303 = arith.constant 5120 : i32
      %add3A_304 = arith.addi %add3A_303, %mul3A_302 : i32
      %dma_wait3A = arith.constant 1 : i32
      %dma_wait3A_305 = arith.constant 0 : i32
      %dma_wait3A_306 = tpu.memref_slice %arg5[%dma_wait3A, %dma_wait3A_305] : memref<2x80xi32, #tpu.memory_space<vmem>> -> memref<1x80xi32, #tpu.memory_space<vmem>>
      %dma_wait3A_307 = tpu.memref_squeeze %dma_wait3A_306 : memref<1x80xi32, #tpu.memory_space<vmem>> -> memref<80xi32, #tpu.memory_space<vmem>>
      %dma_wait3A_308 = tpu.memref_slice %arg3[%add3A_304] : memref<10000xi32, #tpu.memory_space<hbm>> -> memref<80xi32, #tpu.memory_space<hbm>>
      %dma_wait3A_309 = arith.constant 0 : i32
      %dma_wait3A_310 = tpu.memref_slice %arg5[%dma_wait3A, %dma_wait3A_309] : memref<2x80xi32, #tpu.memory_space<vmem>> -> memref<1x80xi32, #tpu.memory_space<vmem>>
      %dma_wait3A_311 = tpu.memref_squeeze %dma_wait3A_310 : memref<1x80xi32, #tpu.memory_space<vmem>> -> memref<80xi32, #tpu.memory_space<vmem>>
      %dma_wait3A_312 = tpu.memref_slice %arg3[%add3A_304] : memref<10000xi32, #tpu.memory_space<hbm>> -> memref<80xi32, #tpu.memory_space<hbm>>
      tpu.wait_dma2 semaphore(%arg10 : memref<!tpu.dma_semaphore, #tpu.memory_space<semaphore_mem>>) src(%dma_wait3A_312 : memref<80xi32, #tpu.memory_space<hbm>>) dst(%dma_wait3A_311 : memref<80xi32, #tpu.memory_space<vmem>>)
      %dma_wait3A_313 = arith.constant 1 : i32
      %dma_wait3A_314 = arith.constant 0 : i32
      %dma_wait3A_315 = arith.constant 0 : i32
      %dma_wait3A_316 = tpu.memref_slice %arg6[%dma_wait3A_313, %dma_wait3A_314, %dma_wait3A_315] : memref<2x80x128xf32, #tpu.memory_space<vmem>> -> memref<1x80x128xf32, #tpu.memory_space<vmem>>
      %dma_wait3A_317 = tpu.memref_squeeze %dma_wait3A_316 : memref<1x80x128xf32, #tpu.memory_space<vmem>> -> memref<80x128xf32, #tpu.memory_space<vmem>>
      %dma_wait3A_318 = arith.constant 0 : i32
      %dma_wait3A_319 = tpu.memref_slice %arg2[%add3A_304, %dma_wait3A_318] : memref<10000x128xf32, #tpu.memory_space<hbm>> -> memref<80x128xf32, #tpu.memory_space<hbm>>
      %dma_wait3A_320 = arith.constant 0 : i32
      %dma_wait3A_321 = arith.constant 0 : i32
      %dma_wait3A_322 = tpu.memref_slice %arg6[%dma_wait3A_313, %dma_wait3A_320, %dma_wait3A_321] : memref<2x80x128xf32, #tpu.memory_space<vmem>> -> memref<1x80x128xf32, #tpu.memory_space<vmem>>
      %dma_wait3A_323 = tpu.memref_squeeze %dma_wait3A_322 : memref<1x80x128xf32, #tpu.memory_space<vmem>> -> memref<80x128xf32, #tpu.memory_space<vmem>>
      %dma_wait3A_324 = arith.constant 0 : i32
      %dma_wait3A_325 = tpu.memref_slice %arg2[%add3A_304, %dma_wait3A_324] : memref<10000x128xf32, #tpu.memory_space<hbm>> -> memref<80x128xf32, #tpu.memory_space<hbm>>
      tpu.wait_dma2 semaphore(%arg10 : memref<!tpu.dma_semaphore, #tpu.memory_space<semaphore_mem>>) src(%dma_wait3A_325 : memref<80x128xf32, #tpu.memory_space<hbm>>) dst(%dma_wait3A_323 : memref<80x128xf32, #tpu.memory_space<vmem>>)
      %dma_start3A = arith.constant 1 : i32
      %dma_start3A_326 = arith.constant 1 : i32
      %dma_start3A_327 = arith.constant 0 : i32
      %dma_start3A_328 = arith.constant 0 : i32
      %dma_start3A_329 = tpu.memref_slice %arg6[%dma_start3A, %dma_start3A_327, %dma_start3A_328] : memref<2x80x128xf32, #tpu.memory_space<vmem>> -> memref<1x80x128xf32, #tpu.memory_space<vmem>>
      %dma_start3A_330 = tpu.memref_squeeze %dma_start3A_329 : memref<1x80x128xf32, #tpu.memory_space<vmem>> -> memref<80x128xf32, #tpu.memory_space<vmem>>
      %dma_start3A_331 = arith.constant 0 : i32
      %dma_start3A_332 = tpu.memref_slice %arg5[%dma_start3A_326, %dma_start3A_331] : memref<2x80xi32, #tpu.memory_space<vmem>> -> memref<1x80xi32, #tpu.memory_space<vmem>>
      %dma_start3A_333 = tpu.memref_squeeze %dma_start3A_332 : memref<1x80xi32, #tpu.memory_space<vmem>> -> memref<80xi32, #tpu.memory_space<vmem>>
      %dma_start3A_334 = arith.constant 0 : i32
      %dma_start3A_335 = arith.constant 0 : i32
      %dma_start3A_336 = tpu.memref_slice %arg8[%dma_start3A_334, %dma_start3A_335] : memref<64x128xf32, #tpu.memory_space<vmem_shared>> -> memref<64x128xf32, #tpu.memory_space<vmem_shared>>
      tpu.enqueue_indirect_dma source(%dma_start3A_330 : memref<80x128xf32, #tpu.memory_space<vmem>>) target(%dma_start3A_336 : memref<64x128xf32, #tpu.memory_space<vmem_shared>>) offsets(%dma_start3A_333 : memref<80xi32, #tpu.memory_space<vmem>>) semaphore(%arg11 : memref<!tpu.dma_semaphore, #tpu.memory_space<semaphore_mem>>) {add = true}
    } else {
    }
    %add3A_282 = arith.constant 0 : i32
    %add3A_283 = arith.addi %add3A, %add3A_282 : i32
    %lt3A_284 = arith.constant 61 : i32
    %lt3A_285 = arith.cmpi slt, %add3A_283, %lt3A_284 : i32
    %convert_element_type3A_286 = arith.extui %lt3A_285 : i1 to i32
    %cond3A_287 = arith.constant 0 : i32
    %cond3A_288 = arith.cmpi ne, %convert_element_type3A_286, %cond3A_287 : i32
    scf.if %cond3A_288 {
      %dma_wait3A = arith.constant 0 : i32
      %dma_wait3A_301 = arith.constant 0 : i32
      %dma_wait3A_302 = arith.constant 0 : i32
      %dma_wait3A_303 = arith.constant 0 : i32
      %dma_wait3A_304 = tpu.memref_slice %arg6[%dma_wait3A, %dma_wait3A_302, %dma_wait3A_303] : memref<2x80x128xf32, #tpu.memory_space<vmem>> -> memref<1x80x128xf32, #tpu.memory_space<vmem>>
      %dma_wait3A_305 = tpu.memref_squeeze %dma_wait3A_304 : memref<1x80x128xf32, #tpu.memory_space<vmem>> -> memref<80x128xf32, #tpu.memory_space<vmem>>
      %dma_wait3A_306 = arith.constant 0 : i32
      %dma_wait3A_307 = tpu.memref_slice %arg5[%dma_wait3A_301, %dma_wait3A_306] : memref<2x80xi32, #tpu.memory_space<vmem>> -> memref<1x80xi32, #tpu.memory_space<vmem>>
      %dma_wait3A_308 = tpu.memref_squeeze %dma_wait3A_307 : memref<1x80xi32, #tpu.memory_space<vmem>> -> memref<80xi32, #tpu.memory_space<vmem>>
      %dma_wait3A_309 = arith.constant 0 : i32
      %dma_wait3A_310 = arith.constant 0 : i32
      %dma_wait3A_311 = tpu.memref_slice %arg8[%dma_wait3A_309, %dma_wait3A_310] : memref<64x128xf32, #tpu.memory_space<vmem_shared>> -> memref<64x128xf32, #tpu.memory_space<vmem_shared>>
      tpu.wait_indirect_dma semaphore(%arg11 : memref<!tpu.dma_semaphore, #tpu.memory_space<semaphore_mem>>) src(%dma_wait3A_305 : memref<80x128xf32, #tpu.memory_space<vmem>>) dst(%dma_wait3A_311 : memref<64x128xf32, #tpu.memory_space<vmem_shared>>)
    } else {
    }
    %add3A_289 = arith.constant 32 : i32
    %add3A_290 = arith.addi %add3A, %add3A_289 : i32
    %lt3A_291 = arith.constant 61 : i32
    %lt3A_292 = arith.cmpi slt, %add3A_290, %lt3A_291 : i32
    %convert_element_type3A_293 = arith.extui %lt3A_292 : i1 to i32
    %cond3A_294 = arith.constant 0 : i32
    %cond3A_295 = arith.cmpi ne, %convert_element_type3A_293, %cond3A_294 : i32
    scf.if %cond3A_295 {
      %dma_wait3A = arith.constant 1 : i32
      %dma_wait3A_301 = arith.constant 1 : i32
      %dma_wait3A_302 = arith.constant 0 : i32
      %dma_wait3A_303 = arith.constant 0 : i32
      %dma_wait3A_304 = tpu.memref_slice %arg6[%dma_wait3A, %dma_wait3A_302, %dma_wait3A_303] : memref<2x80x128xf32, #tpu.memory_space<vmem>> -> memref<1x80x128xf32, #tpu.memory_space<vmem>>
      %dma_wait3A_305 = tpu.memref_squeeze %dma_wait3A_304 : memref<1x80x128xf32, #tpu.memory_space<vmem>> -> memref<80x128xf32, #tpu.memory_space<vmem>>
      %dma_wait3A_306 = arith.constant 0 : i32
      %dma_wait3A_307 = tpu.memref_slice %arg5[%dma_wait3A_301, %dma_wait3A_306] : memref<2x80xi32, #tpu.memory_space<vmem>> -> memref<1x80xi32, #tpu.memory_space<vmem>>
      %dma_wait3A_308 = tpu.memref_squeeze %dma_wait3A_307 : memref<1x80xi32, #tpu.memory_space<vmem>> -> memref<80xi32, #tpu.memory_space<vmem>>
      %dma_wait3A_309 = arith.constant 0 : i32
      %dma_wait3A_310 = arith.constant 0 : i32
      %dma_wait3A_311 = tpu.memref_slice %arg8[%dma_wait3A_309, %dma_wait3A_310] : memref<64x128xf32, #tpu.memory_space<vmem_shared>> -> memref<64x128xf32, #tpu.memory_space<vmem_shared>>
      tpu.wait_indirect_dma semaphore(%arg11 : memref<!tpu.dma_semaphore, #tpu.memory_space<semaphore_mem>>) src(%dma_wait3A_305 : memref<80x128xf32, #tpu.memory_space<vmem>>) dst(%dma_wait3A_311 : memref<64x128xf32, #tpu.memory_space<vmem_shared>>)
    } else {
    }
    %barrier3A_296 = arith.constant 0 : index
    tpu.barrier barrier_id(%barrier3A_296)
    %mul3A_297 = arith.constant 4 : i32
    %mul3A_298 = arith.muli %arg1, %mul3A_297 : i32
    %mul3A_299 = arith.constant 4 : i32
    %mul3A_300 = arith.muli %arg1, %mul3A_299 : i32
    "tpu.region"() ({
      %run_scoped3A = tpu.sem_alloc : memref<!tpu.dma_semaphore, #tpu.memory_space<semaphore_mem>>
      %dma_start3A = arith.constant 0 : i32
      %dma_start3A_301 = tpu.memref_slice %arg4[%arg0, %mul3A_300, %dma_start3A] : memref<2x64x128xf32, #tpu.memory_space<hbm>> -> memref<1x4x128xf32, #tpu.memory_space<hbm>>
      %dma_start3A_302 = tpu.memref_squeeze %dma_start3A_301 : memref<1x4x128xf32, #tpu.memory_space<hbm>> -> memref<4x128xf32, #tpu.memory_space<hbm>>
      %dma_start3A_303 = arith.constant 0 : i32
      %dma_start3A_304 = tpu.memref_slice %arg8[%mul3A_298, %dma_start3A_303] : memref<64x128xf32, #tpu.memory_space<vmem_shared>> -> memref<4x128xf32, #tpu.memory_space<vmem_shared>>
      tpu.enqueue_dma source(%dma_start3A_304 : memref<4x128xf32, #tpu.memory_space<vmem_shared>>) target(%dma_start3A_302 : memref<4x128xf32, #tpu.memory_space<hbm>>) target_semaphore(%run_scoped3A : memref<!tpu.dma_semaphore, #tpu.memory_space<semaphore_mem>>)
      %dma_wait3A = arith.constant 0 : i32
      %dma_wait3A_305 = tpu.memref_slice %arg4[%arg0, %mul3A_300, %dma_wait3A] : memref<2x64x128xf32, #tpu.memory_space<hbm>> -> memref<1x4x128xf32, #tpu.memory_space<hbm>>
      %dma_wait3A_306 = tpu.memref_squeeze %dma_wait3A_305 : memref<1x4x128xf32, #tpu.memory_space<hbm>> -> memref<4x128xf32, #tpu.memory_space<hbm>>
      %dma_wait3A_307 = arith.constant 0 : i32
      %dma_wait3A_308 = tpu.memref_slice %arg8[%mul3A_298, %dma_wait3A_307] : memref<64x128xf32, #tpu.memory_space<vmem_shared>> -> memref<4x128xf32, #tpu.memory_space<vmem_shared>>
      tpu.wait_dma2 semaphore(%run_scoped3A : memref<!tpu.dma_semaphore, #tpu.memory_space<semaphore_mem>>) src(%dma_wait3A_308 : memref<4x128xf32, #tpu.memory_space<vmem_shared>>) dst(%dma_wait3A_306 : memref<4x128xf32, #tpu.memory_space<hbm>>)
      tpu.yield
    }) : () -> ()
    return
  }
}

module attributes {stable_mosaic.version = 14 : i64} {
  func.func @_tc_head_body(%arg0: i32, %arg1: memref<5120x128xf32, #tpu.memory_space<vmem>>, %arg2: memref<5120xi32, #tpu.memory_space<vmem>>, %arg3: memref<64x128xf32, #tpu.memory_space<vmem>>) attributes {dimension_semantics = [#tpu.dimension_semantics<arbitrary>], iteration_bounds = array<i64: 1>, scalar_prefetch = 0 : i64, scratch_operands = 0 : i64, tpu.core_type = #tpu.core_type<tc>, window_params = [{transform_indices = @transform_0, window_bounds = array<i64: 5120, 128>}, {transform_indices = @transform_1, window_bounds = array<i64: 5120>}, {pipeline_mode = #tpu.pipeline_mode<synchronous>, transform_indices = @transform_2, window_bounds = array<i64: 64, 128>}]} {
    %iota3A = tpu.iota {dimensions = array<i32: 0>} : vector<64x5120xi32>
    %get3A = arith.constant 0 : index
    %get3A_0 = vector.load %arg2[%get3A] : memref<5120xi32, #tpu.memory_space<vmem>>, vector<5120xi32>
    %broadcast_in_dim3A = vector.shape_cast %get3A_0 : vector<5120xi32> to vector<1x5120xi32>
    %eq3A = vector.broadcast %broadcast_in_dim3A : vector<1x5120xi32> to vector<64x5120xi32>
    %eq3A_1 = arith.cmpi eq, %eq3A, %iota3A : vector<64x5120xi32>
    %convert_element_type3A = arith.extui %eq3A_1 : vector<64x5120xi1> to vector<64x5120xi32>
    %convert_element_type3A_2 = arith.sitofp %convert_element_type3A : vector<64x5120xi32> to vector<64x5120xf32>
    %get3A_3 = arith.constant 0 : index
    %get3A_4 = arith.constant 0 : index
    %get3A_5 = vector.load %arg1[%get3A_3, %get3A_4] : memref<5120x128xf32, #tpu.memory_space<vmem>>, vector<5120x128xf32>
    %dot_general3A = arith.constant dense<0.000000e+00> : vector<64x128xf32>
    %dot_general3A_6 = tpu.matmul %convert_element_type3A_2, %get3A_5, %dot_general3A {dimension_numbers = #tpu.dot_dimension_numbers<[1], [0], [0], [1], [0, 0, 1, 1], [], []>, transpose_lhs_hint = false} : vector<64x5120xf32>, vector<5120x128xf32>, vector<64x128xf32> -> vector<64x128xf32>
    %swap3A = arith.constant 0 : index
    %swap3A_7 = arith.constant 0 : index
    %swap3A_8 = vector.load %arg3[%swap3A, %swap3A_7] : memref<64x128xf32, #tpu.memory_space<vmem>>, vector<64x128xf32>
    tpu.vector_store %arg3[%swap3A, %swap3A_7], %dot_general3A_6 {strides = array<i32>} : memref<64x128xf32, #tpu.memory_space<vmem>>, vector<64x128xf32>,
    return
  }
  func.func @transform_0(%arg0: i32) -> (i32, i32) {
    %c0_i32 = arith.constant 0 : i32
    %c0_i32_0 = arith.constant 0 : i32
    %c0_i32_1 = arith.constant 0 : i32
    return %c0_i32, %c0_i32_0 : i32, i32
  }
  func.func @transform_1(%arg0: i32) -> i32 {
    %c0_i32 = arith.constant 0 : i32
    %c0_i32_0 = arith.constant 0 : i32
    return %c0_i32 : i32
  }
  func.func @transform_2(%arg0: i32) -> (i32, i32) {
    %c0_i32 = arith.constant 0 : i32
    %c0_i32_0 = arith.constant 0 : i32
    %c0_i32_1 = arith.constant 0 : i32
    return %c0_i32, %c0_i32_0 : i32, i32
  }
}

</mosaic_0001>

<sc_bundles>
// kernel: kernel.4.cloned.1.call-start
scs
__scs_entry_jumppad:
0x0: {  	(pc) =	sbr.rel $0x88, $3  }
0x1: {  	(tag) =	ssettag $0x0;
	lr =	simm.s32 $0x1  }
0x2: {  	[smem:$0x3F9F] =	sst lr;
	_ =	strace $0xD0000000  }
0x3: {  	_ = 	snop  }
0x4: {  	_ = 	snop  }
0x5: {  	_ = 	snop  }
0x6: {  	_ = 	snop  }
0x7: {  	_ = 	snop  }
__scs_overlays_trampoline_lowered:
0x8: {  	[smem:$0x3FAE] =	sst s0  }
0x9: {  	[smem:$0x3FAF] =	sst s1  }
0xa: {  	[smem:$0x3FB0] =	sst s2  }
0xb: {  	[smem:$0x3FB1] =	sst s3  }
0xc: {  	[smem:$0x3FB2] =	sst s4  }
0xd: {  	[smem:$0x3FB3] =	sst s5  }
0xe: {  	[smem:$0x3FB4] =	sst s6  }
0xf: {  	[smem:$0x3FB5] =	sst s7  }
0x10: {  	[smem:$0x3FB6] =	sst s8  }
0x11: {  	[smem:$0x3FB7] =	sst s9;
	s0 =	simm.s32 @!p0 $0x0  }
0x12: {  	s1 =	sld [smem:$0x3F9D];
	s0 =	simm.s32 @p0 $0x1  }
0x13: {  	[smem:$0x3FB8] =	sst s0;
	s0 =	simm.s32 @!p1 $0x0  }
0x14: {  	s2 =	sld [smem:$0x3F9C];
	s0 =	simm.s32 @p1 $0x1  }
0x15: {  	[smem:$0x3FB9] =	sst s0;
	s0 =	simm.s32 @!p2 $0x0  }
0x16: {  	s3 =	sld [smem:$0x3FDB];
	s0 =	simm.s32 @p2 $0x1  }
0x17: {  	s4 =	simm.s32 $0x1BF5;
	[smem:$0x3FBB] =	sst s0  }
0x18: {  	s0 =	sld [smem:$0x3F9E];
	_ =	swait.ge [sflag:s4], $0x0  }
0x19: {  	s7 =	sld [smem:$0x3F9F]  }
0x1a: {  	s8 =	sadd.s32 $0xFFFFE003, lr  }
0x1b: {  	s9 =	sadd.s32 $0xFFFFFEF7, lr;
	s5 =	simm.s32 $0xFFFFFFFF;
	p2 =	slt.u32 s8, $0xFFFFF086  }
0x1c: {  	p1 =	slt.u32 s9, $0xF7A;
	s5 =	simm.s32 @!p2 $0x0  }
0x1d: {  	s5 =	simm.s32 @p1 $0x1;
	p0 =	seq.s32 s7, s2  }
0x1e: {  	s7 =	smul.u32 @!p0 $0xF7A, s2;
	p2 =	seq.s32 @!p0 s5, $0x0  }
0x1f: {  	s9 =	smul.u32 $0xF7A, s1;
	s8 =	simm.s32 @!p0 $0x1BF5;
	p2 =	por !p2, p0  }
0x20: {  	[sflag:s8] =	ssyncset.s32 @!p0 $0xFFFFF086;
	s6 =	sadd.s32 @!p0 s3, s7;
	s7 =	simm.s32 @!p0 $0x108  }
0x21: {  	s3 =	sadd.s32 s3, s9;
	s6 =	sadd.s32 @!p0 $0x88, s6;
	s7 =	simm.s32 @p2 $0x1082  }
0x22: {  	[simem:s7], [sflag:s8] =	dma.local @!p0 [hbm:s6], $0xF7A  }
0x23: {  	s9 =	sor.u32 $0xD0000000, s2;
	s6 =	simm.s32 $0x108;
	_ =	swait.ge @!p0 [sflag:s8], $0x0  }
0x24: {  	s3 =	sadd.s32 $0x88, s3;
	s6 =	simm.s32 @!p1 $0x1082;
	[sflag:s4] =	ssyncset.s32 $0xFFFFF086  }
0x25: {  	[simem:s6], [sflag:s4] =	dma.local [hbm:s3], $0xF7A  }
0x26: {  	[smem:$0x3F9F] =	sst s1;
	(tag) =	ssettag s2;
	_ =	strace s9  }
0x27: {  	s1 =	sld [smem:$0x3FAF]  }
0x28: {  	s2 =	sld [smem:$0x3FB0]  }
0x29: {  	s4 =	sld [smem:$0x3FB2]  }
0x2a: {  	p0 =	seq.s32 s5, $0x0;
	s5 =	sld [smem:$0x3FB3]  }
0x2b: {  	s6 =	sld [smem:$0x3FB4]  }
0x2c: {  	s7 =	sld [smem:$0x3FB5]  }
0x2d: {  	s3 =	simm.s32 $0x108;
	s8 =	sld [smem:$0x3FB6]  }
0x2e: {  	s3 =	simm.s32 @!p0 $0x1082;
	s9 =	sld [smem:$0x3FB7]  }
0x2f: {  	lr =	sadd.s32 s0, s3;
	s0 =	sld [smem:$0x3FAE]  }
0x30: {  	s3 =	sld [smem:$0x3FB1]  }
0x31: {  	[smem:$0x3FBA] =	sst s10  }
0x32: {  	s10 =	sld [smem:$0x3FB8];
	_ =	sdelay $0x3  }
0x33: {  	p0 =	seq.s32 s10, $0x1;
	s10 =	sld [smem:$0x3FBA];
	_ =	sdelay $0x3  }
0x34: {  	[smem:$0x3FBA] =	sst s10  }
0x35: {  	s10 =	sld [smem:$0x3FB9];
	_ =	sdelay $0x3  }
0x36: {  	p1 =	seq.s32 s10, $0x1;
	s10 =	sld [smem:$0x3FBA];
	_ =	sdelay $0x3  }
0x37: {  	[smem:$0x3FBA] =	sst s10  }
0x38: {  	s10 =	sld [smem:$0x3FBB]  }
0x39: {  	_ = 	snop;
	(pc) =	sbr.ind lr, $3  }
0x3a: {  	_ = 	snop  }
0x3b: {  	_ = 	snop  }
0x3c: {  	p2 =	seq.s32 s10, $0x1;
	s10 =	sld [smem:$0x3FBA]  }
0x3d: {  	_ =	shalt  }
0x3e: {  	_ =	shalt  }
0x3f: {  	_ =	shalt  }
0x40: {  	_ =	shalt  }
0x41: {  	_ =	shalt  }
0x42: {  	_ =	shalt  }
0x43: {  	_ =	shalt  }
0x44: {  	_ =	shalt  }
0x45: {  	_ =	shalt  }
0x46: {  	_ =	shalt  }
0x47: {  	_ =	shalt  }
0x48: {  	_ =	shalt  }
0x49: {  	_ =	shalt  }
0x4a: {  	_ =	shalt  }
0x4b: {  	_ =	shalt  }
0x4c: {  	_ =	shalt  }
0x4d: {  	_ =	shalt  }
0x4e: {  	_ =	shalt  }
0x4f: {  	_ =	shalt  }
0x50: {  	_ =	shalt  }
0x51: {  	_ =	shalt  }
0x52: {  	_ =	shalt  }
0x53: {  	_ =	shalt  }
0x54: {  	_ =	shalt  }
0x55: {  	_ =	shalt  }
0x56: {  	_ =	shalt  }
0x57: {  	_ =	shalt  }
0x58: {  	_ =	shalt  }
0x59: {  	_ =	shalt  }
0x5a: {  	_ =	shalt  }
0x5b: {  	_ =	shalt  }
0x5c: {  	_ =	shalt  }
0x5d: {  	_ =	shalt  }
0x5e: {  	_ =	shalt  }
0x5f: {  	_ =	shalt  }
0x60: {  	_ =	shalt  }
0x61: {  	_ =	shalt  }
0x62: {  	_ =	shalt  }
0x63: {  	_ =	shalt  }
0x64: {  	_ =	shalt  }
0x65: {  	_ =	shalt  }
0x66: {  	_ =	shalt  }
0x67: {  	_ =	shalt  }
0x68: {  	_ =	shalt  }
0x69: {  	_ =	shalt  }
0x6a: {  	_ =	shalt  }
0x6b: {  	_ =	shalt  }
0x6c: {  	_ =	shalt  }
0x6d: {  	_ =	shalt  }
0x6e: {  	_ =	shalt  }
0x6f: {  	_ =	shalt  }
0x70: {  	_ =	shalt  }
0x71: {  	_ =	shalt  }
0x72: {  	_ =	shalt  }
0x73: {  	_ =	shalt  }
0x74: {  	_ =	shalt  }
0x75: {  	_ =	shalt  }
0x76: {  	_ =	shalt  }
0x77: {  	_ =	shalt  }
0x78: {  	_ =	shalt  }
0x79: {  	_ =	shalt  }
0x7a: {  	_ =	shalt  }
0x7b: {  	_ =	shalt  }
0x7c: {  	_ =	shalt  }
0x7d: {  	_ =	shalt  }
0x7e: {  	_ =	shalt  }
0x7f: {  	_ =	shalt  }
0x80: {  	_ =	shalt  }
0x81: {  	_ =	shalt  }
0x82: {  	_ =	shalt  }
0x83: {  	_ =	shalt  }
0x84: {  	_ =	shalt  }
0x85: {  	_ =	shalt  }
0x86: {  	_ =	shalt  }
0x87: {  	_ =	shalt  }
.Lfunc_end0:
.L_simem_size_0:
called_computation_lowered:
.L_overlay_start_0:
0x88: {  	s2 =	sld [smem:$0x3FD9]  }
0x89: {  	s3 =	sld [smem:$0x3FFE];
	_ =	sdelay $0x1  }
0x8a: {  	s1 =	srdreg.scid  }
0x8b: {  	s0 =	sand.u32 $0x1, s1  }
0x8c: {  	s17 =	sshll.u32 s0, $0xA;
	s2 =	sadd.s32 s3, s2  }
0x8d: {  	s2 =	sadd.s32 s2, s17  }
0x8e: {  	[smem:$0x3FC6] =	sst s2  }
0x8f: {  	_ = 	snop  }
0x90: {  	s2 =	sld [smem:$0x3FC9]  }
0x91: {  	s18 =	sld [smem:$0x3FC8];
	(tm) =	ssettm $0x1  }
0x92: {  	s4 =	sld [smem:$0x3FFB];
	_ =	sdelay $0x3  }
0x93: {  	_ =	strace s4  }
0x94: {  	s4 =	sld [smem:$0x3FFC];
	_ =	sdelay $0x3  }
0x95: {  	_ =	strace s4  }
0x96: {  	s4 =	sld [smem:$0x3FFD];
	_ =	sdelay $0x3  }
0x97: {  	_ =	strace s4  }
0x98: {  	_ =	strace $0x8FFFFFFF  }
0x99: {  	s19 =	sld [smem:$0x3FDB];
	_ =	sdelay $0x1  }
0x9a: {  	s5 =	simm.s32 $_scs_section_size  }
0x9b: {  	s6 =	simm.s32 $_size__tile_overlayer_lowered;
	s7 =	simm.s32 $_tile_overlayer_lowered  }
0x9c: {  	s22 =	simm.s32 $0x1BFF;
	s21 =	sshll.u32 s7, $0x1;
	s4 =	sadd.s32 s5, s19  }
0x9d: {  	s8 =	simm.s32 $0x0;
	s20 =	sshll.u32 s6, $0x1;
	s6 =	sadd.s32 s21, s4  }
0x9e: {  	[timem:s8], [sflag:s22] =	dma.local [hbm:s6], s20  }
0x9f: {  	_ =	swait.ge [sflag:s22], s20  }
0xa0: {  	s5 =	ssub.s32 $0x0, s20;
	[sflag:s22] =	ssyncset.done $0x0  }
0xa1: {  	[sflag:s22] =	ssyncadd.s32 s5;
	_ =	sdelay $0x1  }
0xa2: {  	s23 =	simm.s32 $0x1B8B  }
0xa3: {  	_ =	swait.ge [sflag:s23], $0x1  }
0xa4: {  	[sflag:s23] =	ssyncset.done $0x0  }
0xa5: {  	s25 =	simm.s32 $0x1B8E;
	s24 =	sld [smem:$0x3FFE];
	[sflag:s23] =	ssyncadd.s32 $0xFFFFFFFF  }
0xa6: {  	s26 =	simm.s32 $execute0_lowered;
	[smem:$0x3FD2] =	sst s25  }
0xa7: {  	s6 =	sshll.u32 s26, $0x1;
	_ =	strace $0x80000046;
	[dreg:$0x1] =	wrdreg $0xFFFFFFFF  }
0xa8: {  	s28 =	simm.s32 $_size_execute0_lowered;
	s4 =	sadd.s32 s4, s6;
	[dreg:$0x0] =	wrdreg $0x0  }
0xa9: {  	s6 =	sshll.u32 s28, $0x1;
	[dreg:$0x2] =	wrdreg s4  }
0xaa: {  	[dreg:$0x3] =	wrdreg s6  }
0xab: {  	[dreg:$0x4] =	wrdreg $0xC0  }
0xac: {  	_ =	task [dreg:s8], $0x5FFFF  }
0xad: {  	[dreg:$0x1] =	wrdreg $0xFFFFFFFF  }
0xae: {  	[dreg:$0x0] =	wrdreg $0x60  }
0xaf: {  	[dreg:$0x2] =	wrdreg s2  }
0xb0: {  	[dreg:$0x3] =	wrdreg s18  }
0xb1: {  	[dreg:$0x4] =	wrdreg s24  }
0xb2: {  	[dreg:$0x5] =	wrdreg $0x53000  }
0xb3: {  	[dreg:$0x6] =	wrdreg $0x9  }
0xb4: {  	_ =	task.clear_ibuf [dreg:s8], $0x7FFFF;
	_ =	strace $0x90000046  }
0xb5: {  	s29 =	simm.s32 $0x9;
	_ =	strace $0x80000048  }
0xb6: {  	_ =	swait.ge [sflag:s29], $0x1  }
0xb7: {  	[sflag:s29] =	ssyncadd.s32 $0xFFFFFFFF  }
0xb8: {  	_ =	strace $0x90000048  }
0xb9: {  	_ =	sfence  }
0xba: {  	s30 =	sld [smem:$0x0];
	_ =	sdelay $0x2  }
0xbb: {  	s31 =	sshll.u32 s1, $0xD;
	s1 =	sshrl.u32 s1, $0x2  }
0xbc: {  	s3 =	sand.u32 $0x4000, s31;
	s1 =	sadd.s32 s1, s30  }
0xbd: {  	s0 =	sor.u32 s3, s0;
	s1 =	sshll.u32 s1, $0x11  }
0xbe: {  	s0 =	sor.u32 s1, s0  }
0xbf: {  	s0 =	sadd.s32 $0x8F2B, s0  }
0xc0: {  	[sflag:s0] =	ssyncadd.remote.s32 $0x1  }
0xc1: {  	_ =	sfence.sel $0xFFFF  }
0xc2: {  	[dreg:$0x0] =	wrdreg $0xFFFFFFFF;
	(pc) =	sbr.abs _section_cstart, $3  }
0xc3: {  	[dreg:$0x1] =	wrdreg $0xFFFFFFFF  }
0xc4: {  	_ =	task.clear_ibuf [dreg:s8], $0x2FFFF;
	_ =	strace $0x9FFFFFFF  }
0xc5: {  	(tm) =	ssettm $0x7FFFFFFF  }
tec
execute0_lowered:
.L_overlay_start_1:
0x0: {  	(tag) =	ssettag $0x1  }
0x1: {  	s5 =	rddreg [dreg:$0x0]  }
0x2: {  	s0 =	stileid.u32;
	s1 =	srdreg.scid  }
0x3: {  	s4 =	rddreg [dreg:$0x1];
	s13 =	sand.u32 $0x1, s1;
	s29 =	sshll.u32 s0, $0x1  }
0x4: {  	s12 =	rddreg [dreg:$0x2];
	s6 =	sor.u32 s13, s29  }
0x5: {  	s2 =	rddreg [dreg:$0x3];
	s3 =	simm.s32 $0x0;
	s7 =	smul.u32 $0x50, s6  }
0x6: {  	[smem:$0x7FF] =	sst s3  }
0x7: {  	s1 =	rddreg [dreg:$0x4];
	_ =	strace $0x80000047;
	s8 =	sadd.s32 $0x1400, s7  }
0x8: {  	p0 =	sgt.u32 s6, $0x1C;
	s6 =	simm.s32 $0x100;
	s9 =	sshrl.u32 s8, $0x3  }
0x9: {  	s10 =	sadd.s32 $0x1E00, s7;
	s8 =	sshll.u32 s8, $0x4;
	s7 =	sadd.s32 s4, s9  }
0xa: {  	[tilespmem:s3], [sflag:$0x1] =	stream.linear.gather [hbm4b:s7+s3], $0x50, $0x38;
	[tilespmem:$0x5500] =	vst v63  }
0xb: {  	s30 =	sshrl.u32 s10, $0x3;
	s11 =	sshll.u32 s10, $0x4;
	s8 =	sadd.s32 s5, s8  }
0xc: {  	[tilespmem:s6], [sflag:$0x1] =	stream.linear.gather [hbm4b:s8+s3], $0x2800, $0x38;
	[tilespmem:$0x5500] =	vst v63  }
0xd: {  	s10 =	simm.s32 @!p0 $0x0;
	s9 =	sadd.s32 s4, s30;
	s4 =	simm.s32 @!p0 $0x80  }
0xe: {  	[tilespmem:s4], [sflag:$0x2] =	stream.linear.gather @!p0 [hbm4b:s9+s10], $0x50, $0x38;
	[tilespmem:$0x5500] =	vst v63  }
0xf: {  	s11 =	sadd.s32 s5, s11;
	s5 =	simm.s32 @!p0 $0x2900  }
0x10: {  	v0 =	vimm.f32 $0.0e+00;
	[tilespmem:s5], [sflag:$0x2] =	stream.linear.gather @!p0 [hbm4b:s11+s10], $0x2800, $0x38;
	[tilespmem:$0x5500] =	vst v63  }
0x11: {  	[tilespmem:$0x52F0] =	vst v0  }
0x12: {  	[tilespmem:$0x52E0] =	vst v0  }
0x13: {  	[tilespmem:$0x52D0] =	vst v0  }
0x14: {  	[tilespmem:$0x52C0] =	vst v0  }
0x15: {  	[tilespmem:$0x52B0] =	vst v0  }
0x16: {  	[tilespmem:$0x52A0] =	vst v0  }
0x17: {  	[tilespmem:$0x5290] =	vst v0  }
0x18: {  	[tilespmem:$0x5280] =	vst v0  }
0x19: {  	[tilespmem:$0x5270] =	vst v0  }
0x1a: {  	[tilespmem:$0x5260] =	vst v0  }
0x1b: {  	[tilespmem:$0x5250] =	vst v0  }
0x1c: {  	[tilespmem:$0x5240] =	vst v0  }
0x1d: {  	[tilespmem:$0x5230] =	vst v0  }
0x1e: {  	[tilespmem:$0x5220] =	vst v0  }
0x1f: {  	[tilespmem:$0x5210] =	vst v0  }
0x20: {  	[tilespmem:$0x5200] =	vst v0  }
0x21: {  	[tilespmem:$0x51F0] =	vst v0  }
0x22: {  	[tilespmem:$0x51E0] =	vst v0  }
0x23: {  	[tilespmem:$0x51D0] =	vst v0  }
0x24: {  	s15 =	ssub.s32 $0x2, s13;
	[tilespmem:$0x51C0] =	vst v0  }
0x25: {  	s16 =	sshrl.u32 s15, $0x1;
	[tilespmem:$0x51B0] =	vst v0  }
0x26: {  	s15 =	ssub.s32 s15, s16;
	[tilespmem:$0x51A0] =	vst v0  }
0x27: {  	s15 =	smax.u32 s15, $0x1;
	[tilespmem:$0x5190] =	vst v0  }
0x28: {  	s21 =	sadd.s32 $0xFFFFFFFF, s15;
	[tilespmem:$0x5180] =	vst v0  }
0x29: {  	p1 =	sne.s32 s21, $0x0;
	[tilespmem:$0x5170] =	vst v0  }
.Ltmp0:
0x2a: {  	s20 =	simm.s32 $0x5100;
	s18 =	simm.s32 $0x1;
	[tilespmem:$0x5160] =	vst v0;
	(pc) =	sbr.rel @!p1 .LBB2_2-.Ltmp0, $4  }
0x2b: {  	s17 =	simm.s32 $0x50;
	s14 =	sshll.u32 s0, $0x6;
	s31 =	sshll.u32 s0, $0x9;
	[tilespmem:$0x5150] =	vst v0  }
0x2c: {  	s12 =	sadd.s32 s14, s12;
	s13 =	sshll.u32 s13, $0xA;
	s19 =	sadd.s32 s31, s2;
	[tilespmem:$0x5140] =	vst v0  }
0x2d: {  	s14 =	sor.u32 $0x1C04, s14;
	s12 =	sadd.s32 s13, s12;
	s13 =	simm.s32 $0x4;
	[tilespmem:$0x5130] =	vst v0  }
0x2e: {  	s12 =	sadd.s32 $0xA00, s12;
	s16 =	sshrl.u32 s19, $0x3;
	s15 =	simm.s32 $0x3;
	[tilespmem:$0x5120] =	vst v0  }
.LBB2_1:
0x2f: {  	s21 =	sadd.s32 $0xFFFFFFFF, s21;
	[tilespmem:$0x5100] =	vst v0  }
0x30: {  	p1 =	sne.s32 s21, $0x0;
	[tilespmem:$0x5110] =	vst v0  }
0x31: {  	[spmem:s19] =	stream.linear.scatter [tilespmem:s20], [sflag:$0x4], $0x200, $0x38;
	[tilespmem:$0x5500] =	vst v63  }
0x32: {  	_ =	swait.ge [sflag:s13], $0x200  }
0x33: {  	[sflag:s13] =	ssyncset.done $0x0  }
0x34: {  	[sflag:s13] =	ssyncadd.s32 $0xFFFFFE00  }
0x35: {  	[bflag:$0x0] =	sbarrier.arrive $0xFFFF  }
0x36: {  	_ =	swait.ge [sflag:s18], $0x50  }
0x37: {  	[sflag:s18] =	ssyncset.done $0x0  }
0x38: {  	[sflag:s18] =	ssyncadd.s32 $0xFFFFFFB0  }
0x39: {  	_ =	swait.ge [sflag:s18], $0x2800  }
0x3a: {  	[sflag:s18] =	ssyncset.done $0x0  }
0x3b: {  	s22 =	simm.s32 @!p0 $0x2;
	[sflag:s18] =	ssyncadd.s32 $0xFFFFD800  }
0x3c: {  	[spmem:s2] =	stream.indirect.scatter.add.f32 [tilespmem:s6], [sflag:$0x3], $0x80, s3, s17, $0xb8;
	[tilespmem:$0x5500] =	vst v63  }
0x3d: {  	_ =	swait.ge @!p0 [sflag:s22], $0x50  }
0x3e: {  	[sflag:s22] =	ssyncset.done @!p0 $0x0  }
0x3f: {  	[sflag:s22] =	ssyncadd.s32 @!p0 $0xFFFFFFB0  }
0x40: {  	_ =	swait.ge @!p0 [sflag:s22], $0x2800  }
0x41: {  	s23 =	simm.s32 @!p0 $0x50;
	[sflag:s22] =	ssyncset.done @!p0 $0x0  }
0x42: {  	[sflag:s22] =	ssyncadd.s32 @!p0 $0xFFFFD800;
	s22 =	simm.s32 @!p0 $0x3  }
0x43: {  	[spmem:s2] =	stream.indirect.scatter.add.f32 @!p0 [tilespmem:s5], [sflag:$0x3], $0x80, s4, s23, $0xb8;
	[tilespmem:$0x5500] =	vst v63  }
0x44: {  	_ =	swait.ge @!p0 [sflag:s22], $0x2800  }
0x45: {  	[sflag:s22] =	ssyncset.done @!p0 $0x0  }
0x46: {  	[sflag:s22] =	ssyncadd.s32 @!p0 $0xFFFFD800  }
0x47: {  	_ =	swait.ge [sflag:s15], $0x2800  }
0x48: {  	[sflag:s15] =	ssyncset.done $0x0  }
0x49: {  	[sflag:s15] =	ssyncadd.s32 $0xFFFFD800  }
0x4a: {  	[bflag:$0x0] =	sbarrier.arrive $0xFFFF  }
0x4b: {  	[hbm:s12], [sflag:s14] =	dma.local [spmem:s16], $0x40  }
0x4c: {  	_ =	swait.ge [sflag:s13], $0x40  }
0x4d: {  	[sflag:s13] =	ssyncset.done $0x0  }
0x4e: {  	[sflag:s13] =	ssyncadd.s32 $0xFFFFFFC0  }
0x4f: {  	[tilespmem:s3], [sflag:$0x1] =	stream.linear.gather [hbm4b:s7+s3], $0x50, $0x38;
	[tilespmem:$0x5500] =	vst v63  }
0x50: {  	_ = 	snop  }
0x51: {  	[tilespmem:s6], [sflag:$0x1] =	stream.linear.gather [hbm4b:s8+s3], $0x2800, $0x38;
	[tilespmem:$0x5500] =	vst v63  }
0x52: {  	_ = 	snop  }
0x53: {  	[tilespmem:s4], [sflag:$0x2] =	stream.linear.gather @!p0 [hbm4b:s9+s10], $0x50, $0x38;
	[tilespmem:$0x5500] =	vst v63  }
0x54: {  	_ = 	snop  }
0x55: {  	[tilespmem:s5], [sflag:$0x2] =	stream.linear.gather @!p0 [hbm4b:s11+s10], $0x2800, $0x38;
	[tilespmem:$0x5500] =	vst v63  }
0x56: {  	[tilespmem:$0x52F0] =	vst v0  }
0x57: {  	[tilespmem:$0x52E0] =	vst v0  }
0x58: {  	[tilespmem:$0x52D0] =	vst v0  }
0x59: {  	[tilespmem:$0x52C0] =	vst v0  }
0x5a: {  	[tilespmem:$0x52B0] =	vst v0  }
0x5b: {  	[tilespmem:$0x52A0] =	vst v0  }
0x5c: {  	[tilespmem:$0x5290] =	vst v0  }
0x5d: {  	[tilespmem:$0x5280] =	vst v0  }
0x5e: {  	[tilespmem:$0x5270] =	vst v0  }
0x5f: {  	[tilespmem:$0x5260] =	vst v0  }
0x60: {  	[tilespmem:$0x5250] =	vst v0  }
0x61: {  	[tilespmem:$0x5240] =	vst v0  }
0x62: {  	[tilespmem:$0x5230] =	vst v0  }
0x63: {  	[tilespmem:$0x5220] =	vst v0  }
0x64: {  	[tilespmem:$0x5210] =	vst v0  }
0x65: {  	[tilespmem:$0x5200] =	vst v0  }
0x66: {  	[tilespmem:$0x51F0] =	vst v0  }
0x67: {  	[tilespmem:$0x51E0] =	vst v0  }
0x68: {  	[tilespmem:$0x51D0] =	vst v0  }
0x69: {  	[tilespmem:$0x51C0] =	vst v0  }
0x6a: {  	[tilespmem:$0x51B0] =	vst v0  }
0x6b: {  	[tilespmem:$0x51A0] =	vst v0  }
0x6c: {  	[tilespmem:$0x5190] =	vst v0  }
0x6d: {  	[tilespmem:$0x5180] =	vst v0  }
0x6e: {  	[tilespmem:$0x5170] =	vst v0  }
.Ltmp1:
0x6f: {  	[tilespmem:$0x5160] =	vst v0;
	(pc) =	sbr.rel @p1 .LBB2_1-.Ltmp1, $4  }
0x70: {  	[tilespmem:$0x5150] =	vst v0  }
0x71: {  	[tilespmem:$0x5140] =	vst v0  }
0x72: {  	[tilespmem:$0x5130] =	vst v0  }
0x73: {  	[tilespmem:$0x5120] =	vst v0  }
.LBB2_2:
0x74: {  	[tilespmem:$0x5100] =	vst v0  }
0x75: {  	[tilespmem:$0x5110] =	vst v0  }
0x76: {  	[spmem:s19] =	stream.linear.scatter [tilespmem:s20], [sflag:$0x4], $0x200, $0x38;
	[tilespmem:$0x5500] =	vst v63  }
0x77: {  	_ =	swait.ge [sflag:s13], $0x200  }
0x78: {  	[sflag:s13] =	ssyncset.done $0x0  }
0x79: {  	[sflag:s13] =	ssyncadd.s32 $0xFFFFFE00  }
0x7a: {  	[bflag:$0x0] =	sbarrier.arrive $0xFFFF  }
0x7b: {  	_ =	swait.ge [sflag:s18], $0x50  }
0x7c: {  	[sflag:s18] =	ssyncset.done $0x0  }
0x7d: {  	[sflag:s18] =	ssyncadd.s32 $0xFFFFFFB0  }
0x7e: {  	_ =	swait.ge [sflag:s18], $0x2800  }
0x7f: {  	[sflag:s18] =	ssyncset.done $0x0  }
0x80: {  	s7 =	simm.s32 @!p0 $0x2;
	[sflag:s18] =	ssyncadd.s32 $0xFFFFD800  }
0x81: {  	[spmem:s2] =	stream.indirect.scatter.add.f32 [tilespmem:s6], [sflag:$0x3], $0x80, s3, s17, $0xb8;
	[tilespmem:$0x5500] =	vst v63  }
0x82: {  	_ =	swait.ge @!p0 [sflag:s7], $0x50  }
0x83: {  	[sflag:s7] =	ssyncset.done @!p0 $0x0  }
0x84: {  	[sflag:s7] =	ssyncadd.s32 @!p0 $0xFFFFFFB0  }
0x85: {  	_ =	swait.ge @!p0 [sflag:s7], $0x2800  }
0x86: {  	[sflag:s7] =	ssyncset.done @!p0 $0x0  }
0x87: {  	s3 =	simm.s32 @!p0 $0x50;
	s6 =	simm.s32 @!p0 $0x3;
	[sflag:s7] =	ssyncadd.s32 @!p0 $0xFFFFD800  }
0x88: {  	[spmem:s2] =	stream.indirect.scatter.add.f32 @!p0 [tilespmem:s5], [sflag:$0x3], $0x80, s4, s3, $0xb8;
	[tilespmem:$0x5500] =	vst v63  }
0x89: {  	_ =	swait.ge @!p0 [sflag:s6], $0x2800  }
0x8a: {  	[sflag:s6] =	ssyncset.done @!p0 $0x0  }
0x8b: {  	[sflag:s6] =	ssyncadd.s32 @!p0 $0xFFFFD800  }
0x8c: {  	_ =	swait.ge [sflag:s15], $0x2800  }
0x8d: {  	[sflag:s15] =	ssyncset.done $0x0  }
0x8e: {  	[sflag:s15] =	ssyncadd.s32 $0xFFFFD800  }
0x8f: {  	[bflag:$0x0] =	sbarrier.arrive $0xFFFF  }
0x90: {  	[hbm:s12], [sflag:s14] =	dma.local [spmem:s16], $0x40  }
0x91: {  	_ =	swait.ge [sflag:s13], $0x40  }
0x92: {  	[sflag:s13] =	ssyncset.done $0x0  }
0x93: {  	[sflag:s13] =	ssyncadd.s32 $0xFFFFFFC0  }
0x94: {  	_ =	sfence.sel $0x180000  }
0x95: {  	[bflag:$0x0] =	sbarrier.arrive $0xFFFF  }
0x96: {  	p0 =	sne.s32 s0, $0x0;
	_ =	strace $0x90000047  }
0x97: {  	s0 =	sadd.s32 @!p0 $0x100000, s1;
	[bflag:$0x2] =	sbarrier.arrive $0xFFFF  }
0x98: {  	[sflag:s0] =	ssyncadd.tile.s32 @!p0 $0x1;
	_ =	shalt  }
.Lfunc_end2:
_tile_overlayer_lowered:
.L_overlay_start_2:
0x99: {  	(tag) =	ssettag $0x2  }
0x9a: {  	s0 =	rddreg [dreg:$0x0];
	s2 =	stileid.u32  }
0x9b: {  	s1 =	rddreg [dreg:$0x1];
	p0 =	sne.s32 s2, $0x0  }
0x9c: {  	s3 =	rddreg [dreg:$0x2];
	[bflag:$0x3] =	sbarrier.arrive $0xFFFF;
	s2 =	simm.s32 @!p0 $0x1C04  }
0x9d: {  	[timem:s3], [sflag:s2] =	dma.local @!p0 [hbm:s0], s1  }
0x9e: {  	s0 =	simm.s32 @!p0 $0x4  }
0x9f: {  	_ =	swait.ge @!p0 [sflag:s0], s1  }
0xa0: {  	s1 =	ssub.s32 @!p0 $0x0, s1;
	[sflag:s0] =	ssyncset.done @!p0 $0x0  }
0xa1: {  	[sflag:s0] =	ssyncadd.s32 @!p0 s1  }
0xa2: {  	[bflag:$0x3] =	sbarrier.arrive $0xFFFF  }
0xa3: {  	_ =	shalt  }

</sc_bundles>
